<compile_context>
chip_gen: v7x
topology: tpu7x:2x2x1
jax: 0.10.2.dev20260603
libtpu: 0.0.44.dev20260713+nightly
codegen_flags: <defaults>
</compile_context>

<pallas_src>
import functools

import jax
import jax.numpy as jnp
from jax import lax
from jax.experimental import pallas as pl
from jax.experimental.pallas import tpu as pltpu
from jax.experimental.pallas import tpu_sc as plsc

_NW = 32
_RW = 8
_NE = 128 // _RW



def _stats_x8(x_rs, pmat):
    R = x_rs.shape[0]

    def body(x_ref, p_ref, st_ref, x8_ref):
        xb = x_ref[...]
        s = jnp.sum(xb, axis=0, keepdims=True)
        q = jnp.sum(xb * xb, axis=0, keepdims=True)
        st_ref[...] = jnp.concatenate(
            [s, q, jnp.zeros((6, 128), jnp.float32)], axis=0)
        x8_ref[...] = jnp.dot(xb, p_ref[...],
                              preferred_element_type=jnp.float32)

    return pl.pallas_call(
        body,
        out_shape=[jax.ShapeDtypeStruct((8, 128), jnp.float32),
                   jax.ShapeDtypeStruct((R, 256), jnp.float32)],
    )(x_rs, pmat)


def _edge_mlp(xi, xj, Akd, Bkd, b1big, W2kd, b2big, W3kd, b3big, crow, *,
              relu_last, br=5000):
    ER, L = xi.shape
    if ER % br != 0:
        br = ER
    grid = (ER // br,)
    HB = W2kd.shape[0]

    def body(xi_ref, xj_ref, A_ref, B_ref, b1_ref, W2_ref, b2_ref, W3_ref,
             b3_ref, c_ref, o_ref):
        z = jnp.dot(xi_ref[...], A_ref[...],
                    preferred_element_type=jnp.float32)
        z = z + jnp.dot(xj_ref[...], B_ref[...],
                        preferred_element_type=jnp.float32)
        z = jnp.maximum(z + b1_ref[...], 0.0)
        z = jnp.maximum(
            jnp.dot(z, W2_ref[...], preferred_element_type=jnp.float32)
            + b2_ref[...], 0.0)
        m = jnp.dot(z, W3_ref[...],
                    preferred_element_type=jnp.float32) + b3_ref[...]
        if relu_last:
            m = jnp.maximum(m, 0.0)
        o_ref[...] = m + c_ref[...]

    fixed = lambda shape: pl.BlockSpec(shape, lambda i: (0,) * len(shape))
    return pl.pallas_call(
        body,
        grid=grid,
        in_specs=[
            pl.BlockSpec((br, L), lambda i: (i, 0)),
            pl.BlockSpec((br, L), lambda i: (i, 0)),
            fixed((L, HB)), fixed((L, HB)), fixed((1, HB)),
            fixed((HB, HB)), fixed((1, HB)), fixed((HB, L)),
            fixed((1, L)), fixed((1, L)),
        ],
        out_specs=pl.BlockSpec((br, L), lambda i: (i, 0)),
        out_shape=jax.ShapeDtypeStruct((ER, L), jnp.float32),
    )(xi, xj, Akd, Bkd, b1big, W2kd, b2big, W3kd, b3big, crow)


def _combine_mean(p, sel, m01):
    NR = p.shape[1]

    def body(p_ref, sel_ref, m_ref, h2_ref, c_ref):
        s = p_ref[0] + p_ref[1]
        cnt = jnp.dot(s, sel_ref[...], preferred_element_type=jnp.float32)
        c = jnp.maximum(cnt, 1.0)
        h2_ref[...] = s * m_ref[...] / c
        c_ref[...] = c

    return pl.pallas_call(
        body,
        out_shape=[jax.ShapeDtypeStruct((NR, 128), jnp.float32),
                   jax.ShapeDtypeStruct((NR, 128), jnp.float32)],
    )(p, sel, m01)


def _final_mean(q, c1, u):
    NR = q.shape[1]

    def body(q_ref, c_ref, u_ref, o_ref):
        s = (q_ref[0] + q_ref[1]) / c_ref[...]
        o_ref[...] = jnp.dot(s, u_ref[...],
                             preferred_element_type=jnp.float32)

    return pl.pallas_call(
        body,
        out_shape=jax.ShapeDtypeStruct((NR, 64), jnp.float32),
    )(q, c1, u)



def _gather_rows(table, ei, *, chunk=5000):
    Nn, Dd = table.shape
    E = ei.shape[1]
    assert E % _NW == 0
    epw = E // _NW
    if epw % chunk != 0:
        chunk = epw
    assert epw % chunk == 0 and chunk % 8 == 0
    nch = epw // chunk
    mesh = plsc.VectorSubcoreMesh(core_axis_name="c", subcore_axis_name="s",
                                  num_cores=2, num_subcores=16)

    @functools.partial(
        pl.kernel,
        out_type=(jax.ShapeDtypeStruct((E, Dd), jnp.float32),
                  jax.ShapeDtypeStruct((E, Dd), jnp.float32)),
        mesh=mesh,
        compiler_params=pltpu.CompilerParams(use_tc_tiling_on_sc=False),
        scratch_types=[
            pltpu.VMEM((chunk,), jnp.int32),
            pltpu.VMEM((chunk,), jnp.int32),
            pltpu.VMEM((chunk, Dd), jnp.float32),
            pltpu.VMEM((chunk, Dd), jnp.float32),
            pltpu.SemaphoreType.DMA,
            pltpu.SemaphoreType.DMA,
        ],
    )
    def k(tab, eidx, xi_o, xj_o, idx_d, idx_s, rows_i, rows_j, sem1, sem2):
        wid = lax.axis_index("s") * 2 + lax.axis_index("c")
        base = wid * epw

        def body(ci, carry):
            off = base + ci * chunk
            pltpu.sync_copy(eidx.at[1, pl.ds(off, chunk)], idx_d)
            pltpu.sync_copy(eidx.at[0, pl.ds(off, chunk)], idx_s)
            c1 = pltpu.async_copy(tab.at[idx_d], rows_i, sem1)
            c2 = pltpu.async_copy(tab.at[idx_s], rows_j, sem2)
            c1.wait()
            c2.wait()
            pltpu.sync_copy(rows_i, xi_o.at[pl.ds(off, chunk)])
            pltpu.sync_copy(rows_j, xj_o.at[pl.ds(off, chunk)])
            return carry

        lax.fori_loop(0, nch, body, 0)

    return k(table, ei)


def _scatter_add(m, ei, zeros, n_out, *, chunk=2000):
    E, Dd = m.shape
    NP = zeros.shape[0]
    assert NP % (16 * 8) == 0
    rpt = NP // 16
    last = n_out - 15 * rpt
    assert 0 < last <= rpt and last % 8 == 0
    epw = E // _NW
    if epw % chunk != 0:
        chunk = epw
    assert epw % chunk == 0
    nch = epw // chunk
    mesh = plsc.VectorSubcoreMesh(core_axis_name="c", subcore_axis_name="s",
                                  num_cores=2, num_subcores=16)

    @functools.partial(
        pl.kernel,
        out_type=jax.ShapeDtypeStruct((2, n_out, Dd), jnp.float32),
        mesh=mesh,
        compiler_params=pltpu.CompilerParams(use_tc_tiling_on_sc=False),
        scratch_types=[
            pltpu.VMEM((chunk,), jnp.int32),
            pltpu.VMEM((chunk, Dd), jnp.float32),
            pltpu.VMEM((rpt, Dd), jnp.float32),
            pltpu.VMEM_SHARED((NP, Dd), jnp.float32),
        ],
    )
    def k(mm, eidx, zz, out, idx_v, val_v, row_buf, acc):
        cid = lax.axis_index("c")
        sid = lax.axis_index("s")
        wid = sid * 2 + cid
        rbase = sid * rpt
        pltpu.sync_copy(zz.at[pl.ds(rbase, rpt)], row_buf)
        pltpu.sync_copy(row_buf, acc.at[pl.ds(rbase, rpt)])
        plsc.subcore_barrier()

        def body(ci, carry):
            off = wid * epw + ci * chunk
            pltpu.sync_copy(eidx.at[1, pl.ds(off, chunk)], idx_v)
            pltpu.sync_copy(mm.at[pl.ds(off, chunk)], val_v)
            pltpu.sync_copy(val_v, acc.at[idx_v], add=True)
            return carry

        lax.fori_loop(0, nch, body, 0)
        plsc.subcore_barrier()

        @pl.when(sid < 15)
        def _copy_full():
            pltpu.sync_copy(acc.at[pl.ds(rbase, rpt)], row_buf)
            pltpu.sync_copy(row_buf, out.at[cid, pl.ds(rbase, rpt)])

        @pl.when(sid == 15)
        def _copy_last():
            pltpu.sync_copy(acc.at[pl.ds(rbase, last)],
                            row_buf.at[pl.ds(0, last)])
            pltpu.sync_copy(row_buf.at[pl.ds(0, last)],
                            out.at[cid, pl.ds(rbase, last)])

    return k(m, ei, zeros)



def _pad_cols(a, w):
    r, c = a.shape
    if c == w:
        return a
    return jnp.concatenate([a, jnp.zeros((r, w - c), a.dtype)], axis=1)


def kernel(x, edge_index, gamma, beta, eW1, eb1, eW2, eb2, eW3, eb3,
           dW1, db1, dW2, db2, dW3, db3):
    N, D = x.shape
    E = edge_index.shape[1]
    NP = ((N + 127) // 128) * 128
    NR = N * _RW // 128
    ER = E * _RW // 128
    f32 = jnp.float32
    eyeE = jnp.eye(_NE, dtype=f32)

    def bd(w):
        return jnp.kron(eyeE, w)

    def big(b):
        return jnp.tile(b.reshape(1, -1), (1, _NE))

    e4to8 = jnp.kron(jnp.eye(2 * _NE, dtype=f32),
                     _pad_cols(jnp.eye(D, dtype=f32), _RW))
    selcnt = jnp.kron(eyeE, jnp.zeros((_RW, _RW), f32)
                      .at[eW3.shape[1], :].set(1.0))
    m01 = big(jnp.zeros((_RW,), f32).at[0:2].set(1.0))
    unpack = jnp.kron(eyeE, jnp.eye(_RW, D, dtype=f32))

    stats, x8p = _stats_x8(x.reshape(N * D // 128, 128), e4to8)
    sums = stats[0].reshape(-1, D).sum(axis=0)
    sumsq = stats[1].reshape(-1, D).sum(axis=0)
    mu = sums / N
    var = sumsq / N - mu * mu
    dvec = gamma * lax.rsqrt(var + 1e-5)
    cvec = beta - mu * dvec
    A1 = eW1[:D] - eW1[D:]
    B1 = eW1[D:]
    A1f = _pad_cols((dvec[:, None] * A1).T, _RW).T
    B1f = _pad_cols((dvec[:, None] * B1).T, _RW).T
    b1f = eb1 + cvec @ eW1[:D]

    zeros = jnp.zeros((NP, _RW), f32)

    crow1 = big(jnp.zeros((_RW,), f32).at[eW3.shape[1]].set(1.0))
    xi, xj = _gather_rows(x8p.reshape(N, _RW), edge_index)
    m1 = _edge_mlp(xi.reshape(ER, 128), xj.reshape(ER, 128),
                   bd(A1f), bd(B1f), big(b1f), bd(eW2), big(eb2), bd(_pad_cols(eW3, _RW)),
                   big(_pad_cols(eb3.reshape(1, -1), _RW)), crow1,
                   relu_last=True)
    p1 = _scatter_add(m1.reshape(E, _RW), edge_index, zeros, N)
    h2, c1 = _combine_mean(p1.reshape(2, NR, 128), selcnt, m01)

    H2 = dW1.shape[0] // 2
    A2 = _pad_cols((dW1[:H2] - dW1[H2:]).T, _RW).T
    B2 = _pad_cols(dW1[H2:].T, _RW).T
    crow2 = jnp.zeros((1, 128), f32)
    xi2, xj2 = _gather_rows(h2.reshape(N, _RW), edge_index)
    m2 = _edge_mlp(xi2.reshape(ER, 128), xj2.reshape(ER, 128),
                   bd(A2), bd(B2), big(db1), bd(dW2), big(db2), bd(_pad_cols(dW3, _RW)),
                   big(_pad_cols(db3.reshape(1, -1), _RW)), crow2,
                   relu_last=False)
    q = _scatter_add(m2.reshape(E, _RW), edge_index, zeros, N)
    out = _final_mean(q.reshape(2, NR, 128), c1, unpack)
    return out.reshape(N, D)

# --- scband reference (transcript-rebuilt; emitter-appended) ---
"""Pipeline reference for scband-edge-net-7456063226140 (READ-ONLY COPY).

The authoritative reference and input builder live on the scoring server;
editing this copy changes nothing except your own understanding.
"""

import jax, jax.numpy as jnp
import numpy as np

N = 100000
E = 1600000
D = 4
BIG = 32
HID = 2


def _lin_init(key, fan_in, fan_out):
    k1, k2 = jax.random.split(key)
    bound = 1.0 / np.sqrt(fan_in)
    W = jax.random.uniform(k1, (fan_in, fan_out), minval=-bound, maxval=bound, dtype=jnp.float32)
    b = jax.random.uniform(k2, (fan_out,), minval=-bound, maxval=bound, dtype=jnp.float32)
    return W, b


def setup_inputs(seed: int = 0):
    key = jax.random.key(seed)
    ks = jax.random.split(key, 10)
    x = jax.random.normal(ks[0], (N, D), dtype=jnp.float32)
    edge_index = jax.random.randint(ks[1], (2, E), 0, N, dtype=jnp.int32)
    gamma = jnp.ones((D,), jnp.float32)
    beta = jnp.zeros((D,), jnp.float32)
    eW1, eb1 = _lin_init(ks[2], 2 * D, BIG)
    eW2, eb2 = _lin_init(ks[3], BIG, BIG)
    eW3, eb3 = _lin_init(ks[4], BIG, HID)
    dW1, db1 = _lin_init(ks[5], 2 * HID, BIG)
    dW2, db2 = _lin_init(ks[6], BIG, BIG)
    dW3, db3 = _lin_init(ks[7], BIG, D)
    return {"x": x, "edge_index": edge_index, "gamma": gamma, "beta": beta,
            "eW1": eW1, "eb1": eb1, "eW2": eW2, "eb2": eb2, "eW3": eW3, "eb3": eb3,
            "dW1": dW1, "db1": db1, "dW2": dW2, "db2": db2, "dW3": dW3, "db3": db3}


def _batchnorm(x, gamma, beta):
    mu = jnp.mean(x, axis=0)
    var = jnp.mean((x - mu) ** 2, axis=0)
    return (x - mu) / jnp.sqrt(var + 1e-5) * gamma + beta


def _edgeconv(x, src, dst, fn):
    xi = jnp.take(x, dst, axis=0)
    xj = jnp.take(x, src, axis=0)
    m = fn(jnp.concatenate([xi, xj - xi], axis=-1))
    s = jax.ops.segment_sum(m, dst, num_segments=N)
    cnt = jax.ops.segment_sum(jnp.ones((dst.shape[0],), m.dtype), dst, num_segments=N)
    return s / jnp.maximum(cnt, 1.0)[:, None]


def reference(x, edge_index, gamma, beta, eW1, eb1, eW2, eb2, eW3, eb3, dW1, db1, dW2, db2, dW3, db3):
    src = edge_index[0]
    dst = edge_index[1]
    h = _batchnorm(x, gamma, beta)
    enc = lambda t: jax.nn.relu(jax.nn.relu(jax.nn.relu(t @ eW1 + eb1) @ eW2 + eb2) @ eW3 + eb3)
    dec = lambda t: jax.nn.relu(jax.nn.relu(t @ dW1 + db1) @ dW2 + db2) @ dW3 + db3
    h = _edgeconv(h, src, dst, enc)
    h = _edgeconv(h, src, dst, dec)
    return h

if __name__ == "__main__":
    import jax
    _d = setup_inputs()
    print(jax.jit(kernel)(*tuple(_d.values())))

</pallas_src>

<mosaic_0001>
#map = affine_map<(d0, d1) -> (0, 0)>
module attributes {stable_mosaic.version = 14 : i64} {
  func.func @k(%arg0: i32, %arg1: i32, %arg2: memref<100000x8xf32, #tpu.memory_space<hbm>>, %arg3: memref<2x1600000xi32, #tpu.memory_space<hbm>>, %arg4: memref<1600000x8xf32, #tpu.memory_space<hbm>>, %arg5: memref<1600000x8xf32, #tpu.memory_space<hbm>>, %arg6: memref<5000xi32, #tpu.memory_space<vmem>>, %arg7: memref<5000xi32, #tpu.memory_space<vmem>>, %arg8: memref<5000x8xf32, #tpu.memory_space<vmem>>, %arg9: memref<5000x8xf32, #tpu.memory_space<vmem>>, %arg10: memref<!tpu.dma_semaphore, #tpu.memory_space<semaphore_mem>>, %arg11: memref<!tpu.dma_semaphore, #tpu.memory_space<semaphore_mem>>) attributes {dimension_semantics = [#tpu.dimension_semantics<core_parallel>, #tpu.dimension_semantics<subcore_parallel>], iteration_bounds = array<i64: 2, 16>, scalar_prefetch = 0 : i64, scratch_operands = 6 : i64, tpu.core_type = #tpu.core_type<sc_vector_subcore>, window_params = [{transform_indices = #map}, {transform_indices = #map}, {transform_indices = #map}, {transform_indices = #map}]} {
    %mul3A = arith.constant 2 : i32
    %mul3A_0 = arith.muli %arg1, %mul3A : i32
    %add3A = arith.addi %mul3A_0, %arg0 : i32
    %mul3A_1 = arith.constant 50000 : i32
    %mul3A_2 = arith.muli %add3A, %mul3A_1 : i32
    %scan3A = arith.constant 0 : i32
    %scan3A_3 = arith.constant 0 : i32
    %scan3A_4 = arith.constant 10 : i32
    %scan3A_5 = arith.addi %scan3A_3, %scan3A_4 : i32
    %scan3A_6 = arith.constant 1 : i32
    scf.for %scan3A_8 = %scan3A_3 to %scan3A_5 step %scan3A_6  : i32 {
      %mul3A_9 = arith.constant 5000 : i32
      %mul3A_10 = arith.muli %scan3A_8, %mul3A_9 : i32
      %add3A_11 = arith.addi %mul3A_2, %mul3A_10 : i32
      %run_scoped3A = arith.constant 1 : i32
      "tpu.region"() ({
        %run_scoped3A_23 = tpu.sem_alloc : memref<!tpu.dma_semaphore, #tpu.memory_space<semaphore_mem>>
        %dma_start3A_24 = tpu.memref_slice %arg3[%run_scoped3A, %add3A_11] : memref<2x1600000xi32, #tpu.memory_space<hbm>> -> memref<1x5000xi32, #tpu.memory_space<hbm>>
        %dma_start3A_25 = tpu.memref_squeeze %dma_start3A_24 : memref<1x5000xi32, #tpu.memory_space<hbm>> -> memref<5000xi32, #tpu.memory_space<hbm>>
        %dma_start3A_26 = tpu.memref_slice %arg3[%run_scoped3A, %add3A_11] : memref<2x1600000xi32, #tpu.memory_space<hbm>> -> memref<1x5000xi32, #tpu.memory_space<hbm>>
        %dma_start3A_27 = tpu.memref_squeeze %dma_start3A_26 : memref<1x5000xi32, #tpu.memory_space<hbm>> -> memref<5000xi32, #tpu.memory_space<hbm>>
        tpu.enqueue_dma source(%dma_start3A_27 : memref<5000xi32, #tpu.memory_space<hbm>>) target(%arg6 : memref<5000xi32, #tpu.memory_space<vmem>>) target_semaphore(%run_scoped3A_23 : memref<!tpu.dma_semaphore, #tpu.memory_space<semaphore_mem>>)
        %dma_wait3A_28 = tpu.memref_slice %arg3[%run_scoped3A, %add3A_11] : memref<2x1600000xi32, #tpu.memory_space<hbm>> -> memref<1x5000xi32, #tpu.memory_space<hbm>>
        %dma_wait3A_29 = tpu.memref_squeeze %dma_wait3A_28 : memref<1x5000xi32, #tpu.memory_space<hbm>> -> memref<5000xi32, #tpu.memory_space<hbm>>
        %dma_wait3A_30 = tpu.memref_slice %arg3[%run_scoped3A, %add3A_11] : memref<2x1600000xi32, #tpu.memory_space<hbm>> -> memref<1x5000xi32, #tpu.memory_space<hbm>>
        %dma_wait3A_31 = tpu.memref_squeeze %dma_wait3A_30 : memref<1x5000xi32, #tpu.memory_space<hbm>> -> memref<5000xi32, #tpu.memory_space<hbm>>
        tpu.wait_dma2 semaphore(%run_scoped3A_23 : memref<!tpu.dma_semaphore, #tpu.memory_space<semaphore_mem>>) src(%dma_wait3A_31 : memref<5000xi32, #tpu.memory_space<hbm>>) dst(%arg6 : memref<5000xi32, #tpu.memory_space<vmem>>)
        tpu.yield
      }) : () -> ()
      %run_scoped3A_12 = arith.constant 0 : i32
      "tpu.region"() ({
        %run_scoped3A_23 = tpu.sem_alloc : memref<!tpu.dma_semaphore, #tpu.memory_space<semaphore_mem>>
        %dma_start3A_24 = tpu.memref_slice %arg3[%run_scoped3A_12, %add3A_11] : memref<2x1600000xi32, #tpu.memory_space<hbm>> -> memref<1x5000xi32, #tpu.memory_space<hbm>>
        %dma_start3A_25 = tpu.memref_squeeze %dma_start3A_24 : memref<1x5000xi32, #tpu.memory_space<hbm>> -> memref<5000xi32, #tpu.memory_space<hbm>>
        %dma_start3A_26 = tpu.memref_slice %arg3[%run_scoped3A_12, %add3A_11] : memref<2x1600000xi32, #tpu.memory_space<hbm>> -> memref<1x5000xi32, #tpu.memory_space<hbm>>
        %dma_start3A_27 = tpu.memref_squeeze %dma_start3A_26 : memref<1x5000xi32, #tpu.memory_space<hbm>> -> memref<5000xi32, #tpu.memory_space<hbm>>
        tpu.enqueue_dma source(%dma_start3A_27 : memref<5000xi32, #tpu.memory_space<hbm>>) target(%arg7 : memref<5000xi32, #tpu.memory_space<vmem>>) target_semaphore(%run_scoped3A_23 : memref<!tpu.dma_semaphore, #tpu.memory_space<semaphore_mem>>)
        %dma_wait3A_28 = tpu.memref_slice %arg3[%run_scoped3A_12, %add3A_11] : memref<2x1600000xi32, #tpu.memory_space<hbm>> -> memref<1x5000xi32, #tpu.memory_space<hbm>>
        %dma_wait3A_29 = tpu.memref_squeeze %dma_wait3A_28 : memref<1x5000xi32, #tpu.memory_space<hbm>> -> memref<5000xi32, #tpu.memory_space<hbm>>
        %dma_wait3A_30 = tpu.memref_slice %arg3[%run_scoped3A_12, %add3A_11] : memref<2x1600000xi32, #tpu.memory_space<hbm>> -> memref<1x5000xi32, #tpu.memory_space<hbm>>
        %dma_wait3A_31 = tpu.memref_squeeze %dma_wait3A_30 : memref<1x5000xi32, #tpu.memory_space<hbm>> -> memref<5000xi32, #tpu.memory_space<hbm>>
        tpu.wait_dma2 semaphore(%run_scoped3A_23 : memref<!tpu.dma_semaphore, #tpu.memory_space<semaphore_mem>>) src(%dma_wait3A_31 : memref<5000xi32, #tpu.memory_space<hbm>>) dst(%arg7 : memref<5000xi32, #tpu.memory_space<vmem>>)
        tpu.yield
      }) : () -> ()
      %dma_start3A = arith.constant 0 : i32
      %dma_start3A_13 = arith.constant 0 : i32
      %dma_start3A_14 = tpu.memref_slice %arg2[%dma_start3A, %dma_start3A_13] : memref<100000x8xf32, #tpu.memory_space<hbm>> -> memref<100000x8xf32, #tpu.memory_space<hbm>>
      tpu.enqueue_indirect_dma source(%dma_start3A_14 : memref<100000x8xf32, #tpu.memory_space<hbm>>) target(%arg8 : memref<5000x8xf32, #tpu.memory_space<vmem>>) offsets(%arg6 : memref<5000xi32, #tpu.memory_space<vmem>>) semaphore(%arg10 : memref<!tpu.dma_semaphore, #tpu.memory_space<semaphore_mem>>)
      %dma_start3A_15 = arith.constant 0 : i32
      %dma_start3A_16 = arith.constant 0 : i32
      %dma_start3A_17 = tpu.memref_slice %arg2[%dma_start3A_15, %dma_start3A_16] : memref<100000x8xf32, #tpu.memory_space<hbm>> -> memref<100000x8xf32, #tpu.memory_space<hbm>>
      tpu.enqueue_indirect_dma source(%dma_start3A_17 : memref<100000x8xf32, #tpu.memory_space<hbm>>) target(%arg9 : memref<5000x8xf32, #tpu.memory_space<vmem>>) offsets(%arg7 : memref<5000xi32, #tpu.memory_space<vmem>>) semaphore(%arg11 : memref<!tpu.dma_semaphore, #tpu.memory_space<semaphore_mem>>)
      %dma_wait3A = arith.constant 0 : i32
      %dma_wait3A_18 = arith.constant 0 : i32
      %dma_wait3A_19 = tpu.memref_slice %arg2[%dma_wait3A, %dma_wait3A_18] : memref<100000x8xf32, #tpu.memory_space<hbm>> -> memref<100000x8xf32, #tpu.memory_space<hbm>>
      tpu.wait_indirect_dma semaphore(%arg10 : memref<!tpu.dma_semaphore, #tpu.memory_space<semaphore_mem>>) src(%dma_wait3A_19 : memref<100000x8xf32, #tpu.memory_space<hbm>>) dst(%arg8 : memref<5000x8xf32, #tpu.memory_space<vmem>>)
      %dma_wait3A_20 = arith.constant 0 : i32
      %dma_wait3A_21 = arith.constant 0 : i32
      %dma_wait3A_22 = tpu.memref_slice %arg2[%dma_wait3A_20, %dma_wait3A_21] : memref<100000x8xf32, #tpu.memory_space<hbm>> -> memref<100000x8xf32, #tpu.memory_space<hbm>>
      tpu.wait_indirect_dma semaphore(%arg11 : memref<!tpu.dma_semaphore, #tpu.memory_space<semaphore_mem>>) src(%dma_wait3A_22 : memref<100000x8xf32, #tpu.memory_space<hbm>>) dst(%arg9 : memref<5000x8xf32, #tpu.memory_space<vmem>>)
      "tpu.region"() ({
        %run_scoped3A_23 = tpu.sem_alloc : memref<!tpu.dma_semaphore, #tpu.memory_space<semaphore_mem>>
        %dma_start3A_24 = arith.constant 0 : i32
        %dma_start3A_25 = tpu.memref_slice %arg4[%add3A_11, %dma_start3A_24] : memref<1600000x8xf32, #tpu.memory_space<hbm>> -> memref<5000x8xf32, #tpu.memory_space<hbm>>
        %dma_start3A_26 = arith.constant 0 : i32
        %dma_start3A_27 = tpu.memref_slice %arg4[%add3A_11, %dma_start3A_26] : memref<1600000x8xf32, #tpu.memory_space<hbm>> -> memref<5000x8xf32, #tpu.memory_space<hbm>>
        tpu.enqueue_dma source(%arg8 : memref<5000x8xf32, #tpu.memory_space<vmem>>) target(%dma_start3A_27 : memref<5000x8xf32, #tpu.memory_space<hbm>>) target_semaphore(%run_scoped3A_23 : memref<!tpu.dma_semaphore, #tpu.memory_space<semaphore_mem>>)
        %dma_wait3A_28 = arith.constant 0 : i32
        %dma_wait3A_29 = tpu.memref_slice %arg4[%add3A_11, %dma_wait3A_28] : memref<1600000x8xf32, #tpu.memory_space<hbm>> -> memref<5000x8xf32, #tpu.memory_space<hbm>>
        %dma_wait3A_30 = arith.constant 0 : i32
        %dma_wait3A_31 = tpu.memref_slice %arg4[%add3A_11, %dma_wait3A_30] : memref<1600000x8xf32, #tpu.memory_space<hbm>> -> memref<5000x8xf32, #tpu.memory_space<hbm>>
        tpu.wait_dma2 semaphore(%run_scoped3A_23 : memref<!tpu.dma_semaphore, #tpu.memory_space<semaphore_mem>>) src(%arg8 : memref<5000x8xf32, #tpu.memory_space<vmem>>) dst(%dma_wait3A_31 : memref<5000x8xf32, #tpu.memory_space<hbm>>)
        tpu.yield
      }) : () -> ()
      "tpu.region"() ({
        %run_scoped3A_23 = tpu.sem_alloc : memref<!tpu.dma_semaphore, #tpu.memory_space<semaphore_mem>>
        %dma_start3A_24 = arith.constant 0 : i32
        %dma_start3A_25 = tpu.memref_slice %arg5[%add3A_11, %dma_start3A_24] : memref<1600000x8xf32, #tpu.memory_space<hbm>> -> memref<5000x8xf32, #tpu.memory_space<hbm>>
        %dma_start3A_26 = arith.constant 0 : i32
        %dma_start3A_27 = tpu.memref_slice %arg5[%add3A_11, %dma_start3A_26] : memref<1600000x8xf32, #tpu.memory_space<hbm>> -> memref<5000x8xf32, #tpu.memory_space<hbm>>
        tpu.enqueue_dma source(%arg9 : memref<5000x8xf32, #tpu.memory_space<vmem>>) target(%dma_start3A_27 : memref<5000x8xf32, #tpu.memory_space<hbm>>) target_semaphore(%run_scoped3A_23 : memref<!tpu.dma_semaphore, #tpu.memory_space<semaphore_mem>>)
        %dma_wait3A_28 = arith.constant 0 : i32
        %dma_wait3A_29 = tpu.memref_slice %arg5[%add3A_11, %dma_wait3A_28] : memref<1600000x8xf32, #tpu.memory_space<hbm>> -> memref<5000x8xf32, #tpu.memory_space<hbm>>
        %dma_wait3A_30 = arith.constant 0 : i32
        %dma_wait3A_31 = tpu.memref_slice %arg5[%add3A_11, %dma_wait3A_30] : memref<1600000x8xf32, #tpu.memory_space<hbm>> -> memref<5000x8xf32, #tpu.memory_space<hbm>>
        tpu.wait_dma2 semaphore(%run_scoped3A_23 : memref<!tpu.dma_semaphore, #tpu.memory_space<semaphore_mem>>) src(%arg9 : memref<5000x8xf32, #tpu.memory_space<vmem>>) dst(%dma_wait3A_31 : memref<5000x8xf32, #tpu.memory_space<hbm>>)
        tpu.yield
      }) : () -> ()
    }
    %scan3A_7 = arith.constant 10 : i32
    return
  }
}

#map = affine_map<(d0, d1) -> (0, 0)>
#map1 = affine_map<(d0, d1) -> (0, 0, 0)>
module attributes {stable_mosaic.version = 14 : i64} {
  func.func @k(%arg0: i32, %arg1: i32, %arg2: memref<1600000x8xf32, #tpu.memory_space<hbm>>, %arg3: memref<2x1600000xi32, #tpu.memory_space<hbm>>, %arg4: memref<100096x8xf32, #tpu.memory_space<hbm>>, %arg5: memref<2x100000x8xf32, #tpu.memory_space<hbm>>, %arg6: memref<2000xi32, #tpu.memory_space<vmem>>, %arg7: memref<2000x8xf32, #tpu.memory_space<vmem>>, %arg8: memref<6256x8xf32, #tpu.memory_space<vmem>>, %arg9: memref<100096x8xf32, #tpu.memory_space<vmem_shared>>) attributes {dimension_semantics = [#tpu.dimension_semantics<core_parallel>, #tpu.dimension_semantics<subcore_parallel>], iteration_bounds = array<i64: 2, 16>, scalar_prefetch = 0 : i64, scratch_operands = 4 : i64, tpu.core_type = #tpu.core_type<sc_vector_subcore>, window_params = [{transform_indices = #map}, {transform_indices = #map}, {transform_indices = #map}, {transform_indices = #map1}]} {
    %mul3A = arith.constant 2 : i32
    %mul3A_0 = arith.muli %arg1, %mul3A : i32
    %add3A = arith.addi %mul3A_0, %arg0 : i32
    %mul3A_1 = arith.constant 6256 : i32
    %mul3A_2 = arith.muli %arg1, %mul3A_1 : i32
    "tpu.region"() ({
      %run_scoped3A = tpu.sem_alloc : memref<!tpu.dma_semaphore, #tpu.memory_space<semaphore_mem>>
      %dma_start3A = arith.constant 0 : i32
      %dma_start3A_15 = tpu.memref_slice %arg4[%mul3A_2, %dma_start3A] : memref<100096x8xf32, #tpu.memory_space<hbm>> -> memref<6256x8xf32, #tpu.memory_space<hbm>>
      %dma_start3A_16 = arith.constant 0 : i32
      %dma_start3A_17 = tpu.memref_slice %arg4[%mul3A_2, %dma_start3A_16] : memref<100096x8xf32, #tpu.memory_space<hbm>> -> memref<6256x8xf32, #tpu.memory_space<hbm>>
      tpu.enqueue_dma source(%dma_start3A_17 : memref<6256x8xf32, #tpu.memory_space<hbm>>) target(%arg8 : memref<6256x8xf32, #tpu.memory_space<vmem>>) target_semaphore(%run_scoped3A : memref<!tpu.dma_semaphore, #tpu.memory_space<semaphore_mem>>)
      %dma_wait3A = arith.constant 0 : i32
      %dma_wait3A_18 = tpu.memref_slice %arg4[%mul3A_2, %dma_wait3A] : memref<100096x8xf32, #tpu.memory_space<hbm>> -> memref<6256x8xf32, #tpu.memory_space<hbm>>
      %dma_wait3A_19 = arith.constant 0 : i32
      %dma_wait3A_20 = tpu.memref_slice %arg4[%mul3A_2, %dma_wait3A_19] : memref<100096x8xf32, #tpu.memory_space<hbm>> -> memref<6256x8xf32, #tpu.memory_space<hbm>>
      tpu.wait_dma2 semaphore(%run_scoped3A : memref<!tpu.dma_semaphore, #tpu.memory_space<semaphore_mem>>) src(%dma_wait3A_20 : memref<6256x8xf32, #tpu.memory_space<hbm>>) dst(%arg8 : memref<6256x8xf32, #tpu.memory_space<vmem>>)
      tpu.yield
    }) : () -> ()
    "tpu.region"() ({
      %run_scoped3A = tpu.sem_alloc : memref<!tpu.dma_semaphore, #tpu.memory_space<semaphore_mem>>
      %dma_start3A = arith.constant 0 : i32
      %dma_start3A_15 = tpu.memref_slice %arg9[%mul3A_2, %dma_start3A] : memref<100096x8xf32, #tpu.memory_space<vmem_shared>> -> memref<6256x8xf32, #tpu.memory_space<vmem_shared>>
      %dma_start3A_16 = arith.constant 0 : i32
      %dma_start3A_17 = tpu.memref_slice %arg9[%mul3A_2, %dma_start3A_16] : memref<100096x8xf32, #tpu.memory_space<vmem_shared>> -> memref<6256x8xf32, #tpu.memory_space<vmem_shared>>
      tpu.enqueue_dma source(%arg8 : memref<6256x8xf32, #tpu.memory_space<vmem>>) target(%dma_start3A_17 : memref<6256x8xf32, #tpu.memory_space<vmem_shared>>) target_semaphore(%run_scoped3A : memref<!tpu.dma_semaphore, #tpu.memory_space<semaphore_mem>>)
      %dma_wait3A = arith.constant 0 : i32
      %dma_wait3A_18 = tpu.memref_slice %arg9[%mul3A_2, %dma_wait3A] : memref<100096x8xf32, #tpu.memory_space<vmem_shared>> -> memref<6256x8xf32, #tpu.memory_space<vmem_shared>>
      %dma_wait3A_19 = arith.constant 0 : i32
      %dma_wait3A_20 = tpu.memref_slice %arg9[%mul3A_2, %dma_wait3A_19] : memref<100096x8xf32, #tpu.memory_space<vmem_shared>> -> memref<6256x8xf32, #tpu.memory_space<vmem_shared>>
      tpu.wait_dma2 semaphore(%run_scoped3A : memref<!tpu.dma_semaphore, #tpu.memory_space<semaphore_mem>>) src(%arg8 : memref<6256x8xf32, #tpu.memory_space<vmem>>) dst(%dma_wait3A_20 : memref<6256x8xf32, #tpu.memory_space<vmem_shared>>)
      tpu.yield
    }) : () -> ()
    %barrier3A = arith.constant 0 : index
    tpu.barrier barrier_id(%barrier3A)
    %scan3A = arith.constant 0 : i32
    %scan3A_3 = arith.constant 0 : i32
    %scan3A_4 = arith.constant 25 : i32
    %scan3A_5 = arith.addi %scan3A_3, %scan3A_4 : i32
    %scan3A_6 = arith.constant 1 : i32
    scf.for %scan3A_15 = %scan3A_3 to %scan3A_5 step %scan3A_6  : i32 {
      %mul3A_16 = arith.constant 50000 : i32
      %mul3A_17 = arith.muli %add3A, %mul3A_16 : i32
      %mul3A_18 = arith.constant 2000 : i32
      %mul3A_19 = arith.muli %scan3A_15, %mul3A_18 : i32
      %add3A_20 = arith.addi %mul3A_17, %mul3A_19 : i32
      %run_scoped3A = arith.constant 1 : i32
      "tpu.region"() ({
        %run_scoped3A_21 = tpu.sem_alloc : memref<!tpu.dma_semaphore, #tpu.memory_space<semaphore_mem>>
        %dma_start3A = tpu.memref_slice %arg3[%run_scoped3A, %add3A_20] : memref<2x1600000xi32, #tpu.memory_space<hbm>> -> memref<1x2000xi32, #tpu.memory_space<hbm>>
        %dma_start3A_22 = tpu.memref_squeeze %dma_start3A : memref<1x2000xi32, #tpu.memory_space<hbm>> -> memref<2000xi32, #tpu.memory_space<hbm>>
        %dma_start3A_23 = tpu.memref_slice %arg3[%run_scoped3A, %add3A_20] : memref<2x1600000xi32, #tpu.memory_space<hbm>> -> memref<1x2000xi32, #tpu.memory_space<hbm>>
        %dma_start3A_24 = tpu.memref_squeeze %dma_start3A_23 : memref<1x2000xi32, #tpu.memory_space<hbm>> -> memref<2000xi32, #tpu.memory_space<hbm>>
        tpu.enqueue_dma source(%dma_start3A_24 : memref<2000xi32, #tpu.memory_space<hbm>>) target(%arg6 : memref<2000xi32, #tpu.memory_space<vmem>>) target_semaphore(%run_scoped3A_21 : memref<!tpu.dma_semaphore, #tpu.memory_space<semaphore_mem>>)
        %dma_wait3A = tpu.memref_slice %arg3[%run_scoped3A, %add3A_20] : memref<2x1600000xi32, #tpu.memory_space<hbm>> -> memref<1x2000xi32, #tpu.memory_space<hbm>>
        %dma_wait3A_25 = tpu.memref_squeeze %dma_wait3A : memref<1x2000xi32, #tpu.memory_space<hbm>> -> memref<2000xi32, #tpu.memory_space<hbm>>
        %dma_wait3A_26 = tpu.memref_slice %arg3[%run_scoped3A, %add3A_20] : memref<2x1600000xi32, #tpu.memory_space<hbm>> -> memref<1x2000xi32, #tpu.memory_space<hbm>>
        %dma_wait3A_27 = tpu.memref_squeeze %dma_wait3A_26 : memref<1x2000xi32, #tpu.memory_space<hbm>> -> memref<2000xi32, #tpu.memory_space<hbm>>
        tpu.wait_dma2 semaphore(%run_scoped3A_21 : memref<!tpu.dma_semaphore, #tpu.memory_space<semaphore_mem>>) src(%dma_wait3A_27 : memref<2000xi32, #tpu.memory_space<hbm>>) dst(%arg6 : memref<2000xi32, #tpu.memory_space<vmem>>)
        tpu.yield
      }) : () -> ()
      "tpu.region"() ({
        %run_scoped3A_21 = tpu.sem_alloc : memref<!tpu.dma_semaphore, #tpu.memory_space<semaphore_mem>>
        %dma_start3A = arith.constant 0 : i32
        %dma_start3A_22 = tpu.memref_slice %arg2[%add3A_20, %dma_start3A] : memref<1600000x8xf32, #tpu.memory_space<hbm>> -> memref<2000x8xf32, #tpu.memory_space<hbm>>
        %dma_start3A_23 = arith.constant 0 : i32
        %dma_start3A_24 = tpu.memref_slice %arg2[%add3A_20, %dma_start3A_23] : memref<1600000x8xf32, #tpu.memory_space<hbm>> -> memref<2000x8xf32, #tpu.memory_space<hbm>>
        tpu.enqueue_dma source(%dma_start3A_24 : memref<2000x8xf32, #tpu.memory_space<hbm>>) target(%arg7 : memref<2000x8xf32, #tpu.memory_space<vmem>>) target_semaphore(%run_scoped3A_21 : memref<!tpu.dma_semaphore, #tpu.memory_space<semaphore_mem>>)
        %dma_wait3A = arith.constant 0 : i32
        %dma_wait3A_25 = tpu.memref_slice %arg2[%add3A_20, %dma_wait3A] : memref<1600000x8xf32, #tpu.memory_space<hbm>> -> memref<2000x8xf32, #tpu.memory_space<hbm>>
        %dma_wait3A_26 = arith.constant 0 : i32
        %dma_wait3A_27 = tpu.memref_slice %arg2[%add3A_20, %dma_wait3A_26] : memref<1600000x8xf32, #tpu.memory_space<hbm>> -> memref<2000x8xf32, #tpu.memory_space<hbm>>
        tpu.wait_dma2 semaphore(%run_scoped3A_21 : memref<!tpu.dma_semaphore, #tpu.memory_space<semaphore_mem>>) src(%dma_wait3A_27 : memref<2000x8xf32, #tpu.memory_space<hbm>>) dst(%arg7 : memref<2000x8xf32, #tpu.memory_space<vmem>>)
        tpu.yield
      }) : () -> ()
      "tpu.region"() ({
        %run_scoped3A_21 = tpu.sem_alloc : memref<!tpu.dma_semaphore, #tpu.memory_space<semaphore_mem>>
        %dma_start3A = arith.constant 0 : i32
        %dma_start3A_22 = arith.constant 0 : i32
        %dma_start3A_23 = tpu.memref_slice %arg9[%dma_start3A, %dma_start3A_22] : memref<100096x8xf32, #tpu.memory_space<vmem_shared>> -> memref<100096x8xf32, #tpu.memory_space<vmem_shared>>
        tpu.enqueue_indirect_dma source(%arg7 : memref<2000x8xf32, #tpu.memory_space<vmem>>) target(%dma_start3A_23 : memref<100096x8xf32, #tpu.memory_space<vmem_shared>>) offsets(%arg6 : memref<2000xi32, #tpu.memory_space<vmem>>) semaphore(%run_scoped3A_21 : memref<!tpu.dma_semaphore, #tpu.memory_space<semaphore_mem>>) {add = true}
        %dma_wait3A = arith.constant 0 : i32
        %dma_wait3A_24 = arith.constant 0 : i32
        %dma_wait3A_25 = tpu.memref_slice %arg9[%dma_wait3A, %dma_wait3A_24] : memref<100096x8xf32, #tpu.memory_space<vmem_shared>> -> memref<100096x8xf32, #tpu.memory_space<vmem_shared>>
        tpu.wait_indirect_dma semaphore(%run_scoped3A_21 : memref<!tpu.dma_semaphore, #tpu.memory_space<semaphore_mem>>) src(%arg7 : memref<2000x8xf32, #tpu.memory_space<vmem>>) dst(%dma_wait3A_25 : memref<100096x8xf32, #tpu.memory_space<vmem_shared>>)
        tpu.yield
      }) : () -> ()
    }
    %scan3A_7 = arith.constant 25 : i32
    %barrier3A_8 = arith.constant 0 : index
    tpu.barrier barrier_id(%barrier3A_8)
    %lt3A = arith.constant 15 : i32
    %lt3A_9 = arith.cmpi slt, %arg1, %lt3A : i32
    %convert_element_type3A = arith.extui %lt3A_9 : i1 to i32
    %cond3A = arith.constant 0 : i32
    %cond3A_10 = arith.cmpi ne, %convert_element_type3A, %cond3A : i32
    scf.if %cond3A_10 {
      "tpu.region"() ({
        %run_scoped3A = tpu.sem_alloc : memref<!tpu.dma_semaphore, #tpu.memory_space<semaphore_mem>>
        %dma_start3A = arith.constant 0 : i32
        %dma_start3A_15 = tpu.memref_slice %arg9[%mul3A_2, %dma_start3A] : memref<100096x8xf32, #tpu.memory_space<vmem_shared>> -> memref<6256x8xf32, #tpu.memory_space<vmem_shared>>
        %dma_start3A_16 = arith.constant 0 : i32
        %dma_start3A_17 = tpu.memref_slice %arg9[%mul3A_2, %dma_start3A_16] : memref<100096x8xf32, #tpu.memory_space<vmem_shared>> -> memref<6256x8xf32, #tpu.memory_space<vmem_shared>>
        tpu.enqueue_dma source(%dma_start3A_17 : memref<6256x8xf32, #tpu.memory_space<vmem_shared>>) target(%arg8 : memref<6256x8xf32, #tpu.memory_space<vmem>>) target_semaphore(%run_scoped3A : memref<!tpu.dma_semaphore, #tpu.memory_space<semaphore_mem>>)
        %dma_wait3A = arith.constant 0 : i32
        %dma_wait3A_18 = tpu.memref_slice %arg9[%mul3A_2, %dma_wait3A] : memref<100096x8xf32, #tpu.memory_space<vmem_shared>> -> memref<6256x8xf32, #tpu.memory_space<vmem_shared>>
        %dma_wait3A_19 = arith.constant 0 : i32
        %dma_wait3A_20 = tpu.memref_slice %arg9[%mul3A_2, %dma_wait3A_19] : memref<100096x8xf32, #tpu.memory_space<vmem_shared>> -> memref<6256x8xf32, #tpu.memory_space<vmem_shared>>
        tpu.wait_dma2 semaphore(%run_scoped3A : memref<!tpu.dma_semaphore, #tpu.memory_space<semaphore_mem>>) src(%dma_wait3A_20 : memref<6256x8xf32, #tpu.memory_space<vmem_shared>>) dst(%arg8 : memref<6256x8xf32, #tpu.memory_space<vmem>>)
        tpu.yield
      }) : () -> ()
      "tpu.region"() ({
        %run_scoped3A = tpu.sem_alloc : memref<!tpu.dma_semaphore, #tpu.memory_space<semaphore_mem>>
        %dma_start3A = arith.constant 0 : i32
        %dma_start3A_15 = tpu.memref_slice %arg5[%arg0, %mul3A_2, %dma_start3A] : memref<2x100000x8xf32, #tpu.memory_space<hbm>> -> memref<1x6256x8xf32, #tpu.memory_space<hbm>>
        %dma_start3A_16 = tpu.memref_squeeze %dma_start3A_15 : memref<1x6256x8xf32, #tpu.memory_space<hbm>> -> memref<6256x8xf32, #tpu.memory_space<hbm>>
        %dma_start3A_17 = arith.constant 0 : i32
        %dma_start3A_18 = tpu.memref_slice %arg5[%arg0, %mul3A_2, %dma_start3A_17] : memref<2x100000x8xf32, #tpu.memory_space<hbm>> -> memref<1x6256x8xf32, #tpu.memory_space<hbm>>
        %dma_start3A_19 = tpu.memref_squeeze %dma_start3A_18 : memref<1x6256x8xf32, #tpu.memory_space<hbm>> -> memref<6256x8xf32, #tpu.memory_space<hbm>>
        tpu.enqueue_dma source(%arg8 : memref<6256x8xf32, #tpu.memory_space<vmem>>) target(%dma_start3A_19 : memref<6256x8xf32, #tpu.memory_space<hbm>>) target_semaphore(%run_scoped3A : memref<!tpu.dma_semaphore, #tpu.memory_space<semaphore_mem>>)
        %dma_wait3A = arith.constant 0 : i32
        %dma_wait3A_20 = tpu.memref_slice %arg5[%arg0, %mul3A_2, %dma_wait3A] : memref<2x100000x8xf32, #tpu.memory_space<hbm>> -> memref<1x6256x8xf32, #tpu.memory_space<hbm>>
        %dma_wait3A_21 = tpu.memref_squeeze %dma_wait3A_20 : memref<1x6256x8xf32, #tpu.memory_space<hbm>> -> memref<6256x8xf32, #tpu.memory_space<hbm>>
        %dma_wait3A_22 = arith.constant 0 : i32
        %dma_wait3A_23 = tpu.memref_slice %arg5[%arg0, %mul3A_2, %dma_wait3A_22] : memref<2x100000x8xf32, #tpu.memory_space<hbm>> -> memref<1x6256x8xf32, #tpu.memory_space<hbm>>
        %dma_wait3A_24 = tpu.memref_squeeze %dma_wait3A_23 : memref<1x6256x8xf32, #tpu.memory_space<hbm>> -> memref<6256x8xf32, #tpu.memory_space<hbm>>
        tpu.wait_dma2 semaphore(%run_scoped3A : memref<!tpu.dma_semaphore, #tpu.memory_space<semaphore_mem>>) src(%arg8 : memref<6256x8xf32, #tpu.memory_space<vmem>>) dst(%dma_wait3A_24 : memref<6256x8xf32, #tpu.memory_space<hbm>>)
        tpu.yield
      }) : () -> ()
    } else {
    }
    %eq3A = arith.constant 15 : i32
    %eq3A_11 = arith.cmpi eq, %arg1, %eq3A : i32
    %convert_element_type3A_12 = arith.extui %eq3A_11 : i1 to i32
    %cond3A_13 = arith.constant 0 : i32
    %cond3A_14 = arith.cmpi ne, %convert_element_type3A_12, %cond3A_13 : i32
    scf.if %cond3A_14 {
      "tpu.region"() ({
        %run_scoped3A = tpu.sem_alloc : memref<!tpu.dma_semaphore, #tpu.memory_space<semaphore_mem>>
        %dma_start3A = arith.constant 0 : i32
        %dma_start3A_15 = arith.constant 0 : i32
        %dma_start3A_16 = tpu.memref_slice %arg8[%dma_start3A, %dma_start3A_15] : memref<6256x8xf32, #tpu.memory_space<vmem>> -> memref<6160x8xf32, #tpu.memory_space<vmem>>
        %dma_start3A_17 = arith.constant 0 : i32
        %dma_start3A_18 = tpu.memref_slice %arg9[%mul3A_2, %dma_start3A_17] : memref<100096x8xf32, #tpu.memory_space<vmem_shared>> -> memref<6160x8xf32, #tpu.memory_space<vmem_shared>>
        %dma_start3A_19 = arith.constant 0 : i32
        %dma_start3A_20 = arith.constant 0 : i32
        %dma_start3A_21 = tpu.memref_slice %arg8[%dma_start3A_19, %dma_start3A_20] : memref<6256x8xf32, #tpu.memory_space<vmem>> -> memref<6160x8xf32, #tpu.memory_space<vmem>>
        %dma_start3A_22 = arith.constant 0 : i32
        %dma_start3A_23 = tpu.memref_slice %arg9[%mul3A_2, %dma_start3A_22] : memref<100096x8xf32, #tpu.memory_space<vmem_shared>> -> memref<6160x8xf32, #tpu.memory_space<vmem_shared>>
        tpu.enqueue_dma source(%dma_start3A_23 : memref<6160x8xf32, #tpu.memory_space<vmem_shared>>) target(%dma_start3A_21 : memref<6160x8xf32, #tpu.memory_space<vmem>>) target_semaphore(%run_scoped3A : memref<!tpu.dma_semaphore, #tpu.memory_space<semaphore_mem>>)
        %dma_wait3A = arith.constant 0 : i32
        %dma_wait3A_24 = arith.constant 0 : i32
        %dma_wait3A_25 = tpu.memref_slice %arg8[%dma_wait3A, %dma_wait3A_24] : memref<6256x8xf32, #tpu.memory_space<vmem>> -> memref<6160x8xf32, #tpu.memory_space<vmem>>
        %dma_wait3A_26 = arith.constant 0 : i32
        %dma_wait3A_27 = tpu.memref_slice %arg9[%mul3A_2, %dma_wait3A_26] : memref<100096x8xf32, #tpu.memory_space<vmem_shared>> -> memref<6160x8xf32, #tpu.memory_space<vmem_shared>>
        %dma_wait3A_28 = arith.constant 0 : i32
        %dma_wait3A_29 = arith.constant 0 : i32
        %dma_wait3A_30 = tpu.memref_slice %arg8[%dma_wait3A_28, %dma_wait3A_29] : memref<6256x8xf32, #tpu.memory_space<vmem>> -> memref<6160x8xf32, #tpu.memory_space<vmem>>
        %dma_wait3A_31 = arith.constant 0 : i32
        %dma_wait3A_32 = tpu.memref_slice %arg9[%mul3A_2, %dma_wait3A_31] : memref<100096x8xf32, #tpu.memory_space<vmem_shared>> -> memref<6160x8xf32, #tpu.memory_space<vmem_shared>>
        tpu.wait_dma2 semaphore(%run_scoped3A : memref<!tpu.dma_semaphore, #tpu.memory_space<semaphore_mem>>) src(%dma_wait3A_32 : memref<6160x8xf32, #tpu.memory_space<vmem_shared>>) dst(%dma_wait3A_30 : memref<6160x8xf32, #tpu.memory_space<vmem>>)
        tpu.yield
      }) : () -> ()
      "tpu.region"() ({
        %run_scoped3A = tpu.sem_alloc : memref<!tpu.dma_semaphore, #tpu.memory_space<semaphore_mem>>
        %dma_start3A = arith.constant 0 : i32
        %dma_start3A_15 = arith.constant 0 : i32
        %dma_start3A_16 = tpu.memref_slice %arg8[%dma_start3A, %dma_start3A_15] : memref<6256x8xf32, #tpu.memory_space<vmem>> -> memref<6160x8xf32, #tpu.memory_space<vmem>>
        %dma_start3A_17 = arith.constant 0 : i32
        %dma_start3A_18 = tpu.memref_slice %arg5[%arg0, %mul3A_2, %dma_start3A_17] : memref<2x100000x8xf32, #tpu.memory_space<hbm>> -> memref<1x6160x8xf32, #tpu.memory_space<hbm>>
        %dma_start3A_19 = tpu.memref_squeeze %dma_start3A_18 : memref<1x6160x8xf32, #tpu.memory_space<hbm>> -> memref<6160x8xf32, #tpu.memory_space<hbm>>
        %dma_start3A_20 = arith.constant 0 : i32
        %dma_start3A_21 = tpu.memref_slice %arg5[%arg0, %mul3A_2, %dma_start3A_20] : memref<2x100000x8xf32, #tpu.memory_space<hbm>> -> memref<1x6160x8xf32, #tpu.memory_space<hbm>>
        %dma_start3A_22 = tpu.memref_squeeze %dma_start3A_21 : memref<1x6160x8xf32, #tpu.memory_space<hbm>> -> memref<6160x8xf32, #tpu.memory_space<hbm>>
        %dma_start3A_23 = arith.constant 0 : i32
        %dma_start3A_24 = arith.constant 0 : i32
        %dma_start3A_25 = tpu.memref_slice %arg8[%dma_start3A_23, %dma_start3A_24] : memref<6256x8xf32, #tpu.memory_space<vmem>> -> memref<6160x8xf32, #tpu.memory_space<vmem>>
        tpu.enqueue_dma source(%dma_start3A_25 : memref<6160x8xf32, #tpu.memory_space<vmem>>) target(%dma_start3A_22 : memref<6160x8xf32, #tpu.memory_space<hbm>>) target_semaphore(%run_scoped3A : memref<!tpu.dma_semaphore, #tpu.memory_space<semaphore_mem>>)
        %dma_wait3A = arith.constant 0 : i32
        %dma_wait3A_26 = arith.constant 0 : i32
        %dma_wait3A_27 = tpu.memref_slice %arg8[%dma_wait3A, %dma_wait3A_26] : memref<6256x8xf32, #tpu.memory_space<vmem>> -> memref<6160x8xf32, #tpu.memory_space<vmem>>
        %dma_wait3A_28 = arith.constant 0 : i32
        %dma_wait3A_29 = tpu.memref_slice %arg5[%arg0, %mul3A_2, %dma_wait3A_28] : memref<2x100000x8xf32, #tpu.memory_space<hbm>> -> memref<1x6160x8xf32, #tpu.memory_space<hbm>>
        %dma_wait3A_30 = tpu.memref_squeeze %dma_wait3A_29 : memref<1x6160x8xf32, #tpu.memory_space<hbm>> -> memref<6160x8xf32, #tpu.memory_space<hbm>>
        %dma_wait3A_31 = arith.constant 0 : i32
        %dma_wait3A_32 = tpu.memref_slice %arg5[%arg0, %mul3A_2, %dma_wait3A_31] : memref<2x100000x8xf32, #tpu.memory_space<hbm>> -> memref<1x6160x8xf32, #tpu.memory_space<hbm>>
        %dma_wait3A_33 = tpu.memref_squeeze %dma_wait3A_32 : memref<1x6160x8xf32, #tpu.memory_space<hbm>> -> memref<6160x8xf32, #tpu.memory_space<hbm>>
        %dma_wait3A_34 = arith.constant 0 : i32
        %dma_wait3A_35 = arith.constant 0 : i32
        %dma_wait3A_36 = tpu.memref_slice %arg8[%dma_wait3A_34, %dma_wait3A_35] : memref<6256x8xf32, #tpu.memory_space<vmem>> -> memref<6160x8xf32, #tpu.memory_space<vmem>>
        tpu.wait_dma2 semaphore(%run_scoped3A : memref<!tpu.dma_semaphore, #tpu.memory_space<semaphore_mem>>) src(%dma_wait3A_36 : memref<6160x8xf32, #tpu.memory_space<vmem>>) dst(%dma_wait3A_33 : memref<6160x8xf32, #tpu.memory_space<hbm>>)
        tpu.yield
      }) : () -> ()
    } else {
    }
    return
  }
}

#map = affine_map<(d0, d1) -> (0, 0)>
#map1 = affine_map<(d0, d1) -> (0, 0, 0)>
module attributes {stable_mosaic.version = 14 : i64} {
  func.func @k(%arg0: i32, %arg1: i32, %arg2: memref<1600000x8xf32, #tpu.memory_space<hbm>>, %arg3: memref<2x1600000xi32, #tpu.memory_space<hbm>>, %arg4: memref<100096x8xf32, #tpu.memory_space<hbm>>, %arg5: memref<2x100000x8xf32, #tpu.memory_space<hbm>>, %arg6: memref<2000xi32, #tpu.memory_space<vmem>>, %arg7: memref<2000x8xf32, #tpu.memory_space<vmem>>, %arg8: memref<6256x8xf32, #tpu.memory_space<vmem>>, %arg9: memref<100096x8xf32, #tpu.memory_space<vmem_shared>>) attributes {dimension_semantics = [#tpu.dimension_semantics<core_parallel>, #tpu.dimension_semantics<subcore_parallel>], iteration_bounds = array<i64: 2, 16>, scalar_prefetch = 0 : i64, scratch_operands = 4 : i64, tpu.core_type = #tpu.core_type<sc_vector_subcore>, window_params = [{transform_indices = #map}, {transform_indices = #map}, {transform_indices = #map}, {transform_indices = #map1}]} {
    %mul3A = arith.constant 2 : i32
    %mul3A_0 = arith.muli %arg1, %mul3A : i32
    %add3A = arith.addi %mul3A_0, %arg0 : i32
    %mul3A_1 = arith.constant 6256 : i32
    %mul3A_2 = arith.muli %arg1, %mul3A_1 : i32
    "tpu.region"() ({
      %run_scoped3A = tpu.sem_alloc : memref<!tpu.dma_semaphore, #tpu.memory_space<semaphore_mem>>
      %dma_start3A = arith.constant 0 : i32
      %dma_start3A_15 = tpu.memref_slice %arg4[%mul3A_2, %dma_start3A] : memref<100096x8xf32, #tpu.memory_space<hbm>> -> memref<6256x8xf32, #tpu.memory_space<hbm>>
      %dma_start3A_16 = arith.constant 0 : i32
      %dma_start3A_17 = tpu.memref_slice %arg4[%mul3A_2, %dma_start3A_16] : memref<100096x8xf32, #tpu.memory_space<hbm>> -> memref<6256x8xf32, #tpu.memory_space<hbm>>
      tpu.enqueue_dma source(%dma_start3A_17 : memref<6256x8xf32, #tpu.memory_space<hbm>>) target(%arg8 : memref<6256x8xf32, #tpu.memory_space<vmem>>) target_semaphore(%run_scoped3A : memref<!tpu.dma_semaphore, #tpu.memory_space<semaphore_mem>>)
      %dma_wait3A = arith.constant 0 : i32
      %dma_wait3A_18 = tpu.memref_slice %arg4[%mul3A_2, %dma_wait3A] : memref<100096x8xf32, #tpu.memory_space<hbm>> -> memref<6256x8xf32, #tpu.memory_space<hbm>>
      %dma_wait3A_19 = arith.constant 0 : i32
      %dma_wait3A_20 = tpu.memref_slice %arg4[%mul3A_2, %dma_wait3A_19] : memref<100096x8xf32, #tpu.memory_space<hbm>> -> memref<6256x8xf32, #tpu.memory_space<hbm>>
      tpu.wait_dma2 semaphore(%run_scoped3A : memref<!tpu.dma_semaphore, #tpu.memory_space<semaphore_mem>>) src(%dma_wait3A_20 : memref<6256x8xf32, #tpu.memory_space<hbm>>) dst(%arg8 : memref<6256x8xf32, #tpu.memory_space<vmem>>)
      tpu.yield
    }) : () -> ()
    "tpu.region"() ({
      %run_scoped3A = tpu.sem_alloc : memref<!tpu.dma_semaphore, #tpu.memory_space<semaphore_mem>>
      %dma_start3A = arith.constant 0 : i32
      %dma_start3A_15 = tpu.memref_slice %arg9[%mul3A_2, %dma_start3A] : memref<100096x8xf32, #tpu.memory_space<vmem_shared>> -> memref<6256x8xf32, #tpu.memory_space<vmem_shared>>
      %dma_start3A_16 = arith.constant 0 : i32
      %dma_start3A_17 = tpu.memref_slice %arg9[%mul3A_2, %dma_start3A_16] : memref<100096x8xf32, #tpu.memory_space<vmem_shared>> -> memref<6256x8xf32, #tpu.memory_space<vmem_shared>>
      tpu.enqueue_dma source(%arg8 : memref<6256x8xf32, #tpu.memory_space<vmem>>) target(%dma_start3A_17 : memref<6256x8xf32, #tpu.memory_space<vmem_shared>>) target_semaphore(%run_scoped3A : memref<!tpu.dma_semaphore, #tpu.memory_space<semaphore_mem>>)
      %dma_wait3A = arith.constant 0 : i32
      %dma_wait3A_18 = tpu.memref_slice %arg9[%mul3A_2, %dma_wait3A] : memref<100096x8xf32, #tpu.memory_space<vmem_shared>> -> memref<6256x8xf32, #tpu.memory_space<vmem_shared>>
      %dma_wait3A_19 = arith.constant 0 : i32
      %dma_wait3A_20 = tpu.memref_slice %arg9[%mul3A_2, %dma_wait3A_19] : memref<100096x8xf32, #tpu.memory_space<vmem_shared>> -> memref<6256x8xf32, #tpu.memory_space<vmem_shared>>
      tpu.wait_dma2 semaphore(%run_scoped3A : memref<!tpu.dma_semaphore, #tpu.memory_space<semaphore_mem>>) src(%arg8 : memref<6256x8xf32, #tpu.memory_space<vmem>>) dst(%dma_wait3A_20 : memref<6256x8xf32, #tpu.memory_space<vmem_shared>>)
      tpu.yield
    }) : () -> ()
    %barrier3A = arith.constant 0 : index
    tpu.barrier barrier_id(%barrier3A)
    %scan3A = arith.constant 0 : i32
    %scan3A_3 = arith.constant 0 : i32
    %scan3A_4 = arith.constant 25 : i32
    %scan3A_5 = arith.addi %scan3A_3, %scan3A_4 : i32
    %scan3A_6 = arith.constant 1 : i32
    scf.for %scan3A_15 = %scan3A_3 to %scan3A_5 step %scan3A_6  : i32 {
      %mul3A_16 = arith.constant 50000 : i32
      %mul3A_17 = arith.muli %add3A, %mul3A_16 : i32
      %mul3A_18 = arith.constant 2000 : i32
      %mul3A_19 = arith.muli %scan3A_15, %mul3A_18 : i32
      %add3A_20 = arith.addi %mul3A_17, %mul3A_19 : i32
      %run_scoped3A = arith.constant 1 : i32
      "tpu.region"() ({
        %run_scoped3A_21 = tpu.sem_alloc : memref<!tpu.dma_semaphore, #tpu.memory_space<semaphore_mem>>
        %dma_start3A = tpu.memref_slice %arg3[%run_scoped3A, %add3A_20] : memref<2x1600000xi32, #tpu.memory_space<hbm>> -> memref<1x2000xi32, #tpu.memory_space<hbm>>
        %dma_start3A_22 = tpu.memref_squeeze %dma_start3A : memref<1x2000xi32, #tpu.memory_space<hbm>> -> memref<2000xi32, #tpu.memory_space<hbm>>
        %dma_start3A_23 = tpu.memref_slice %arg3[%run_scoped3A, %add3A_20] : memref<2x1600000xi32, #tpu.memory_space<hbm>> -> memref<1x2000xi32, #tpu.memory_space<hbm>>
        %dma_start3A_24 = tpu.memref_squeeze %dma_start3A_23 : memref<1x2000xi32, #tpu.memory_space<hbm>> -> memref<2000xi32, #tpu.memory_space<hbm>>
        tpu.enqueue_dma source(%dma_start3A_24 : memref<2000xi32, #tpu.memory_space<hbm>>) target(%arg6 : memref<2000xi32, #tpu.memory_space<vmem>>) target_semaphore(%run_scoped3A_21 : memref<!tpu.dma_semaphore, #tpu.memory_space<semaphore_mem>>)
        %dma_wait3A = tpu.memref_slice %arg3[%run_scoped3A, %add3A_20] : memref<2x1600000xi32, #tpu.memory_space<hbm>> -> memref<1x2000xi32, #tpu.memory_space<hbm>>
        %dma_wait3A_25 = tpu.memref_squeeze %dma_wait3A : memref<1x2000xi32, #tpu.memory_space<hbm>> -> memref<2000xi32, #tpu.memory_space<hbm>>
        %dma_wait3A_26 = tpu.memref_slice %arg3[%run_scoped3A, %add3A_20] : memref<2x1600000xi32, #tpu.memory_space<hbm>> -> memref<1x2000xi32, #tpu.memory_space<hbm>>
        %dma_wait3A_27 = tpu.memref_squeeze %dma_wait3A_26 : memref<1x2000xi32, #tpu.memory_space<hbm>> -> memref<2000xi32, #tpu.memory_space<hbm>>
        tpu.wait_dma2 semaphore(%run_scoped3A_21 : memref<!tpu.dma_semaphore, #tpu.memory_space<semaphore_mem>>) src(%dma_wait3A_27 : memref<2000xi32, #tpu.memory_space<hbm>>) dst(%arg6 : memref<2000xi32, #tpu.memory_space<vmem>>)
        tpu.yield
      }) : () -> ()
      "tpu.region"() ({
        %run_scoped3A_21 = tpu.sem_alloc : memref<!tpu.dma_semaphore, #tpu.memory_space<semaphore_mem>>
        %dma_start3A = arith.constant 0 : i32
        %dma_start3A_22 = tpu.memref_slice %arg2[%add3A_20, %dma_start3A] : memref<1600000x8xf32, #tpu.memory_space<hbm>> -> memref<2000x8xf32, #tpu.memory_space<hbm>>
        %dma_start3A_23 = arith.constant 0 : i32
        %dma_start3A_24 = tpu.memref_slice %arg2[%add3A_20, %dma_start3A_23] : memref<1600000x8xf32, #tpu.memory_space<hbm>> -> memref<2000x8xf32, #tpu.memory_space<hbm>>
        tpu.enqueue_dma source(%dma_start3A_24 : memref<2000x8xf32, #tpu.memory_space<hbm>>) target(%arg7 : memref<2000x8xf32, #tpu.memory_space<vmem>>) target_semaphore(%run_scoped3A_21 : memref<!tpu.dma_semaphore, #tpu.memory_space<semaphore_mem>>)
        %dma_wait3A = arith.constant 0 : i32
        %dma_wait3A_25 = tpu.memref_slice %arg2[%add3A_20, %dma_wait3A] : memref<1600000x8xf32, #tpu.memory_space<hbm>> -> memref<2000x8xf32, #tpu.memory_space<hbm>>
        %dma_wait3A_26 = arith.constant 0 : i32
        %dma_wait3A_27 = tpu.memref_slice %arg2[%add3A_20, %dma_wait3A_26] : memref<1600000x8xf32, #tpu.memory_space<hbm>> -> memref<2000x8xf32, #tpu.memory_space<hbm>>
        tpu.wait_dma2 semaphore(%run_scoped3A_21 : memref<!tpu.dma_semaphore, #tpu.memory_space<semaphore_mem>>) src(%dma_wait3A_27 : memref<2000x8xf32, #tpu.memory_space<hbm>>) dst(%arg7 : memref<2000x8xf32, #tpu.memory_space<vmem>>)
        tpu.yield
      }) : () -> ()
      "tpu.region"() ({
        %run_scoped3A_21 = tpu.sem_alloc : memref<!tpu.dma_semaphore, #tpu.memory_space<semaphore_mem>>
        %dma_start3A = arith.constant 0 : i32
        %dma_start3A_22 = arith.constant 0 : i32
        %dma_start3A_23 = tpu.memref_slice %arg9[%dma_start3A, %dma_start3A_22] : memref<100096x8xf32, #tpu.memory_space<vmem_shared>> -> memref<100096x8xf32, #tpu.memory_space<vmem_shared>>
        tpu.enqueue_indirect_dma source(%arg7 : memref<2000x8xf32, #tpu.memory_space<vmem>>) target(%dma_start3A_23 : memref<100096x8xf32, #tpu.memory_space<vmem_shared>>) offsets(%arg6 : memref<2000xi32, #tpu.memory_space<vmem>>) semaphore(%run_scoped3A_21 : memref<!tpu.dma_semaphore, #tpu.memory_space<semaphore_mem>>) {add = true}
        %dma_wait3A = arith.constant 0 : i32
        %dma_wait3A_24 = arith.constant 0 : i32
        %dma_wait3A_25 = tpu.memref_slice %arg9[%dma_wait3A, %dma_wait3A_24] : memref<100096x8xf32, #tpu.memory_space<vmem_shared>> -> memref<100096x8xf32, #tpu.memory_space<vmem_shared>>
        tpu.wait_indirect_dma semaphore(%run_scoped3A_21 : memref<!tpu.dma_semaphore, #tpu.memory_space<semaphore_mem>>) src(%arg7 : memref<2000x8xf32, #tpu.memory_space<vmem>>) dst(%dma_wait3A_25 : memref<100096x8xf32, #tpu.memory_space<vmem_shared>>)
        tpu.yield
      }) : () -> ()
    }
    %scan3A_7 = arith.constant 25 : i32
    %barrier3A_8 = arith.constant 0 : index
    tpu.barrier barrier_id(%barrier3A_8)
    %lt3A = arith.constant 15 : i32
    %lt3A_9 = arith.cmpi slt, %arg1, %lt3A : i32
    %convert_element_type3A = arith.extui %lt3A_9 : i1 to i32
    %cond3A = arith.constant 0 : i32
    %cond3A_10 = arith.cmpi ne, %convert_element_type3A, %cond3A : i32
    scf.if %cond3A_10 {
      "tpu.region"() ({
        %run_scoped3A = tpu.sem_alloc : memref<!tpu.dma_semaphore, #tpu.memory_space<semaphore_mem>>
        %dma_start3A = arith.constant 0 : i32
        %dma_start3A_15 = tpu.memref_slice %arg9[%mul3A_2, %dma_start3A] : memref<100096x8xf32, #tpu.memory_space<vmem_shared>> -> memref<6256x8xf32, #tpu.memory_space<vmem_shared>>
        %dma_start3A_16 = arith.constant 0 : i32
        %dma_start3A_17 = tpu.memref_slice %arg9[%mul3A_2, %dma_start3A_16] : memref<100096x8xf32, #tpu.memory_space<vmem_shared>> -> memref<6256x8xf32, #tpu.memory_space<vmem_shared>>
        tpu.enqueue_dma source(%dma_start3A_17 : memref<6256x8xf32, #tpu.memory_space<vmem_shared>>) target(%arg8 : memref<6256x8xf32, #tpu.memory_space<vmem>>) target_semaphore(%run_scoped3A : memref<!tpu.dma_semaphore, #tpu.memory_space<semaphore_mem>>)
        %dma_wait3A = arith.constant 0 : i32
        %dma_wait3A_18 = tpu.memref_slice %arg9[%mul3A_2, %dma_wait3A] : memref<100096x8xf32, #tpu.memory_space<vmem_shared>> -> memref<6256x8xf32, #tpu.memory_space<vmem_shared>>
        %dma_wait3A_19 = arith.constant 0 : i32
        %dma_wait3A_20 = tpu.memref_slice %arg9[%mul3A_2, %dma_wait3A_19] : memref<100096x8xf32, #tpu.memory_space<vmem_shared>> -> memref<6256x8xf32, #tpu.memory_space<vmem_shared>>
        tpu.wait_dma2 semaphore(%run_scoped3A : memref<!tpu.dma_semaphore, #tpu.memory_space<semaphore_mem>>) src(%dma_wait3A_20 : memref<6256x8xf32, #tpu.memory_space<vmem_shared>>) dst(%arg8 : memref<6256x8xf32, #tpu.memory_space<vmem>>)
        tpu.yield
      }) : () -> ()
      "tpu.region"() ({
        %run_scoped3A = tpu.sem_alloc : memref<!tpu.dma_semaphore, #tpu.memory_space<semaphore_mem>>
        %dma_start3A = arith.constant 0 : i32
        %dma_start3A_15 = tpu.memref_slice %arg5[%arg0, %mul3A_2, %dma_start3A] : memref<2x100000x8xf32, #tpu.memory_space<hbm>> -> memref<1x6256x8xf32, #tpu.memory_space<hbm>>
        %dma_start3A_16 = tpu.memref_squeeze %dma_start3A_15 : memref<1x6256x8xf32, #tpu.memory_space<hbm>> -> memref<6256x8xf32, #tpu.memory_space<hbm>>
        %dma_start3A_17 = arith.constant 0 : i32
        %dma_start3A_18 = tpu.memref_slice %arg5[%arg0, %mul3A_2, %dma_start3A_17] : memref<2x100000x8xf32, #tpu.memory_space<hbm>> -> memref<1x6256x8xf32, #tpu.memory_space<hbm>>
        %dma_start3A_19 = tpu.memref_squeeze %dma_start3A_18 : memref<1x6256x8xf32, #tpu.memory_space<hbm>> -> memref<6256x8xf32, #tpu.memory_space<hbm>>
        tpu.enqueue_dma source(%arg8 : memref<6256x8xf32, #tpu.memory_space<vmem>>) target(%dma_start3A_19 : memref<6256x8xf32, #tpu.memory_space<hbm>>) target_semaphore(%run_scoped3A : memref<!tpu.dma_semaphore, #tpu.memory_space<semaphore_mem>>)
        %dma_wait3A = arith.constant 0 : i32
        %dma_wait3A_20 = tpu.memref_slice %arg5[%arg0, %mul3A_2, %dma_wait3A] : memref<2x100000x8xf32, #tpu.memory_space<hbm>> -> memref<1x6256x8xf32, #tpu.memory_space<hbm>>
        %dma_wait3A_21 = tpu.memref_squeeze %dma_wait3A_20 : memref<1x6256x8xf32, #tpu.memory_space<hbm>> -> memref<6256x8xf32, #tpu.memory_space<hbm>>
        %dma_wait3A_22 = arith.constant 0 : i32
        %dma_wait3A_23 = tpu.memref_slice %arg5[%arg0, %mul3A_2, %dma_wait3A_22] : memref<2x100000x8xf32, #tpu.memory_space<hbm>> -> memref<1x6256x8xf32, #tpu.memory_space<hbm>>
        %dma_wait3A_24 = tpu.memref_squeeze %dma_wait3A_23 : memref<1x6256x8xf32, #tpu.memory_space<hbm>> -> memref<6256x8xf32, #tpu.memory_space<hbm>>
        tpu.wait_dma2 semaphore(%run_scoped3A : memref<!tpu.dma_semaphore, #tpu.memory_space<semaphore_mem>>) src(%arg8 : memref<6256x8xf32, #tpu.memory_space<vmem>>) dst(%dma_wait3A_24 : memref<6256x8xf32, #tpu.memory_space<hbm>>)
        tpu.yield
      }) : () -> ()
    } else {
    }
    %eq3A = arith.constant 15 : i32
    %eq3A_11 = arith.cmpi eq, %arg1, %eq3A : i32
    %convert_element_type3A_12 = arith.extui %eq3A_11 : i1 to i32
    %cond3A_13 = arith.constant 0 : i32
    %cond3A_14 = arith.cmpi ne, %convert_element_type3A_12, %cond3A_13 : i32
    scf.if %cond3A_14 {
      "tpu.region"() ({
        %run_scoped3A = tpu.sem_alloc : memref<!tpu.dma_semaphore, #tpu.memory_space<semaphore_mem>>
        %dma_start3A = arith.constant 0 : i32
        %dma_start3A_15 = arith.constant 0 : i32
        %dma_start3A_16 = tpu.memref_slice %arg8[%dma_start3A, %dma_start3A_15] : memref<6256x8xf32, #tpu.memory_space<vmem>> -> memref<6160x8xf32, #tpu.memory_space<vmem>>
        %dma_start3A_17 = arith.constant 0 : i32
        %dma_start3A_18 = tpu.memref_slice %arg9[%mul3A_2, %dma_start3A_17] : memref<100096x8xf32, #tpu.memory_space<vmem_shared>> -> memref<6160x8xf32, #tpu.memory_space<vmem_shared>>
        %dma_start3A_19 = arith.constant 0 : i32
        %dma_start3A_20 = arith.constant 0 : i32
        %dma_start3A_21 = tpu.memref_slice %arg8[%dma_start3A_19, %dma_start3A_20] : memref<6256x8xf32, #tpu.memory_space<vmem>> -> memref<6160x8xf32, #tpu.memory_space<vmem>>
        %dma_start3A_22 = arith.constant 0 : i32
        %dma_start3A_23 = tpu.memref_slice %arg9[%mul3A_2, %dma_start3A_22] : memref<100096x8xf32, #tpu.memory_space<vmem_shared>> -> memref<6160x8xf32, #tpu.memory_space<vmem_shared>>
        tpu.enqueue_dma source(%dma_start3A_23 : memref<6160x8xf32, #tpu.memory_space<vmem_shared>>) target(%dma_start3A_21 : memref<6160x8xf32, #tpu.memory_space<vmem>>) target_semaphore(%run_scoped3A : memref<!tpu.dma_semaphore, #tpu.memory_space<semaphore_mem>>)
        %dma_wait3A = arith.constant 0 : i32
        %dma_wait3A_24 = arith.constant 0 : i32
        %dma_wait3A_25 = tpu.memref_slice %arg8[%dma_wait3A, %dma_wait3A_24] : memref<6256x8xf32, #tpu.memory_space<vmem>> -> memref<6160x8xf32, #tpu.memory_space<vmem>>
        %dma_wait3A_26 = arith.constant 0 : i32
        %dma_wait3A_27 = tpu.memref_slice %arg9[%mul3A_2, %dma_wait3A_26] : memref<100096x8xf32, #tpu.memory_space<vmem_shared>> -> memref<6160x8xf32, #tpu.memory_space<vmem_shared>>
        %dma_wait3A_28 = arith.constant 0 : i32
        %dma_wait3A_29 = arith.constant 0 : i32
        %dma_wait3A_30 = tpu.memref_slice %arg8[%dma_wait3A_28, %dma_wait3A_29] : memref<6256x8xf32, #tpu.memory_space<vmem>> -> memref<6160x8xf32, #tpu.memory_space<vmem>>
        %dma_wait3A_31 = arith.constant 0 : i32
        %dma_wait3A_32 = tpu.memref_slice %arg9[%mul3A_2, %dma_wait3A_31] : memref<100096x8xf32, #tpu.memory_space<vmem_shared>> -> memref<6160x8xf32, #tpu.memory_space<vmem_shared>>
        tpu.wait_dma2 semaphore(%run_scoped3A : memref<!tpu.dma_semaphore, #tpu.memory_space<semaphore_mem>>) src(%dma_wait3A_32 : memref<6160x8xf32, #tpu.memory_space<vmem_shared>>) dst(%dma_wait3A_30 : memref<6160x8xf32, #tpu.memory_space<vmem>>)
        tpu.yield
      }) : () -> ()
      "tpu.region"() ({
        %run_scoped3A = tpu.sem_alloc : memref<!tpu.dma_semaphore, #tpu.memory_space<semaphore_mem>>
        %dma_start3A = arith.constant 0 : i32
        %dma_start3A_15 = arith.constant 0 : i32
        %dma_start3A_16 = tpu.memref_slice %arg8[%dma_start3A, %dma_start3A_15] : memref<6256x8xf32, #tpu.memory_space<vmem>> -> memref<6160x8xf32, #tpu.memory_space<vmem>>
        %dma_start3A_17 = arith.constant 0 : i32
        %dma_start3A_18 = tpu.memref_slice %arg5[%arg0, %mul3A_2, %dma_start3A_17] : memref<2x100000x8xf32, #tpu.memory_space<hbm>> -> memref<1x6160x8xf32, #tpu.memory_space<hbm>>
        %dma_start3A_19 = tpu.memref_squeeze %dma_start3A_18 : memref<1x6160x8xf32, #tpu.memory_space<hbm>> -> memref<6160x8xf32, #tpu.memory_space<hbm>>
        %dma_start3A_20 = arith.constant 0 : i32
        %dma_start3A_21 = tpu.memref_slice %arg5[%arg0, %mul3A_2, %dma_start3A_20] : memref<2x100000x8xf32, #tpu.memory_space<hbm>> -> memref<1x6160x8xf32, #tpu.memory_space<hbm>>
        %dma_start3A_22 = tpu.memref_squeeze %dma_start3A_21 : memref<1x6160x8xf32, #tpu.memory_space<hbm>> -> memref<6160x8xf32, #tpu.memory_space<hbm>>
        %dma_start3A_23 = arith.constant 0 : i32
        %dma_start3A_24 = arith.constant 0 : i32
        %dma_start3A_25 = tpu.memref_slice %arg8[%dma_start3A_23, %dma_start3A_24] : memref<6256x8xf32, #tpu.memory_space<vmem>> -> memref<6160x8xf32, #tpu.memory_space<vmem>>
        tpu.enqueue_dma source(%dma_start3A_25 : memref<6160x8xf32, #tpu.memory_space<vmem>>) target(%dma_start3A_22 : memref<6160x8xf32, #tpu.memory_space<hbm>>) target_semaphore(%run_scoped3A : memref<!tpu.dma_semaphore, #tpu.memory_space<semaphore_mem>>)
        %dma_wait3A = arith.constant 0 : i32
        %dma_wait3A_26 = arith.constant 0 : i32
        %dma_wait3A_27 = tpu.memref_slice %arg8[%dma_wait3A, %dma_wait3A_26] : memref<6256x8xf32, #tpu.memory_space<vmem>> -> memref<6160x8xf32, #tpu.memory_space<vmem>>
        %dma_wait3A_28 = arith.constant 0 : i32
        %dma_wait3A_29 = tpu.memref_slice %arg5[%arg0, %mul3A_2, %dma_wait3A_28] : memref<2x100000x8xf32, #tpu.memory_space<hbm>> -> memref<1x6160x8xf32, #tpu.memory_space<hbm>>
        %dma_wait3A_30 = tpu.memref_squeeze %dma_wait3A_29 : memref<1x6160x8xf32, #tpu.memory_space<hbm>> -> memref<6160x8xf32, #tpu.memory_space<hbm>>
        %dma_wait3A_31 = arith.constant 0 : i32
        %dma_wait3A_32 = tpu.memref_slice %arg5[%arg0, %mul3A_2, %dma_wait3A_31] : memref<2x100000x8xf32, #tpu.memory_space<hbm>> -> memref<1x6160x8xf32, #tpu.memory_space<hbm>>
        %dma_wait3A_33 = tpu.memref_squeeze %dma_wait3A_32 : memref<1x6160x8xf32, #tpu.memory_space<hbm>> -> memref<6160x8xf32, #tpu.memory_space<hbm>>
        %dma_wait3A_34 = arith.constant 0 : i32
        %dma_wait3A_35 = arith.constant 0 : i32
        %dma_wait3A_36 = tpu.memref_slice %arg8[%dma_wait3A_34, %dma_wait3A_35] : memref<6256x8xf32, #tpu.memory_space<vmem>> -> memref<6160x8xf32, #tpu.memory_space<vmem>>
        tpu.wait_dma2 semaphore(%run_scoped3A : memref<!tpu.dma_semaphore, #tpu.memory_space<semaphore_mem>>) src(%dma_wait3A_36 : memref<6160x8xf32, #tpu.memory_space<vmem>>) dst(%dma_wait3A_33 : memref<6160x8xf32, #tpu.memory_space<hbm>>)
        tpu.yield
      }) : () -> ()
    } else {
    }
    return
  }
}

#map = affine_map<(d0, d1) -> (0, 0)>
module attributes {stable_mosaic.version = 14 : i64} {
  func.func @k(%arg0: i32, %arg1: i32, %arg2: memref<100000x8xf32, #tpu.memory_space<hbm>>, %arg3: memref<2x1600000xi32, #tpu.memory_space<hbm>>, %arg4: memref<1600000x8xf32, #tpu.memory_space<hbm>>, %arg5: memref<1600000x8xf32, #tpu.memory_space<hbm>>, %arg6: memref<5000xi32, #tpu.memory_space<vmem>>, %arg7: memref<5000xi32, #tpu.memory_space<vmem>>, %arg8: memref<5000x8xf32, #tpu.memory_space<vmem>>, %arg9: memref<5000x8xf32, #tpu.memory_space<vmem>>, %arg10: memref<!tpu.dma_semaphore, #tpu.memory_space<semaphore_mem>>, %arg11: memref<!tpu.dma_semaphore, #tpu.memory_space<semaphore_mem>>) attributes {dimension_semantics = [#tpu.dimension_semantics<core_parallel>, #tpu.dimension_semantics<subcore_parallel>], iteration_bounds = array<i64: 2, 16>, scalar_prefetch = 0 : i64, scratch_operands = 6 : i64, tpu.core_type = #tpu.core_type<sc_vector_subcore>, window_params = [{transform_indices = #map}, {transform_indices = #map}, {transform_indices = #map}, {transform_indices = #map}]} {
    %mul3A = arith.constant 2 : i32
    %mul3A_0 = arith.muli %arg1, %mul3A : i32
    %add3A = arith.addi %mul3A_0, %arg0 : i32
    %mul3A_1 = arith.constant 50000 : i32
    %mul3A_2 = arith.muli %add3A, %mul3A_1 : i32
    %scan3A = arith.constant 0 : i32
    %scan3A_3 = arith.constant 0 : i32
    %scan3A_4 = arith.constant 10 : i32
    %scan3A_5 = arith.addi %scan3A_3, %scan3A_4 : i32
    %scan3A_6 = arith.constant 1 : i32
    scf.for %scan3A_8 = %scan3A_3 to %scan3A_5 step %scan3A_6  : i32 {
      %mul3A_9 = arith.constant 5000 : i32
      %mul3A_10 = arith.muli %scan3A_8, %mul3A_9 : i32
      %add3A_11 = arith.addi %mul3A_2, %mul3A_10 : i32
      %run_scoped3A = arith.constant 1 : i32
      "tpu.region"() ({
        %run_scoped3A_23 = tpu.sem_alloc : memref<!tpu.dma_semaphore, #tpu.memory_space<semaphore_mem>>
        %dma_start3A_24 = tpu.memref_slice %arg3[%run_scoped3A, %add3A_11] : memref<2x1600000xi32, #tpu.memory_space<hbm>> -> memref<1x5000xi32, #tpu.memory_space<hbm>>
        %dma_start3A_25 = tpu.memref_squeeze %dma_start3A_24 : memref<1x5000xi32, #tpu.memory_space<hbm>> -> memref<5000xi32, #tpu.memory_space<hbm>>
        %dma_start3A_26 = tpu.memref_slice %arg3[%run_scoped3A, %add3A_11] : memref<2x1600000xi32, #tpu.memory_space<hbm>> -> memref<1x5000xi32, #tpu.memory_space<hbm>>
        %dma_start3A_27 = tpu.memref_squeeze %dma_start3A_26 : memref<1x5000xi32, #tpu.memory_space<hbm>> -> memref<5000xi32, #tpu.memory_space<hbm>>
        tpu.enqueue_dma source(%dma_start3A_27 : memref<5000xi32, #tpu.memory_space<hbm>>) target(%arg6 : memref<5000xi32, #tpu.memory_space<vmem>>) target_semaphore(%run_scoped3A_23 : memref<!tpu.dma_semaphore, #tpu.memory_space<semaphore_mem>>)
        %dma_wait3A_28 = tpu.memref_slice %arg3[%run_scoped3A, %add3A_11] : memref<2x1600000xi32, #tpu.memory_space<hbm>> -> memref<1x5000xi32, #tpu.memory_space<hbm>>
        %dma_wait3A_29 = tpu.memref_squeeze %dma_wait3A_28 : memref<1x5000xi32, #tpu.memory_space<hbm>> -> memref<5000xi32, #tpu.memory_space<hbm>>
        %dma_wait3A_30 = tpu.memref_slice %arg3[%run_scoped3A, %add3A_11] : memref<2x1600000xi32, #tpu.memory_space<hbm>> -> memref<1x5000xi32, #tpu.memory_space<hbm>>
        %dma_wait3A_31 = tpu.memref_squeeze %dma_wait3A_30 : memref<1x5000xi32, #tpu.memory_space<hbm>> -> memref<5000xi32, #tpu.memory_space<hbm>>
        tpu.wait_dma2 semaphore(%run_scoped3A_23 : memref<!tpu.dma_semaphore, #tpu.memory_space<semaphore_mem>>) src(%dma_wait3A_31 : memref<5000xi32, #tpu.memory_space<hbm>>) dst(%arg6 : memref<5000xi32, #tpu.memory_space<vmem>>)
        tpu.yield
      }) : () -> ()
      %run_scoped3A_12 = arith.constant 0 : i32
      "tpu.region"() ({
        %run_scoped3A_23 = tpu.sem_alloc : memref<!tpu.dma_semaphore, #tpu.memory_space<semaphore_mem>>
        %dma_start3A_24 = tpu.memref_slice %arg3[%run_scoped3A_12, %add3A_11] : memref<2x1600000xi32, #tpu.memory_space<hbm>> -> memref<1x5000xi32, #tpu.memory_space<hbm>>
        %dma_start3A_25 = tpu.memref_squeeze %dma_start3A_24 : memref<1x5000xi32, #tpu.memory_space<hbm>> -> memref<5000xi32, #tpu.memory_space<hbm>>
        %dma_start3A_26 = tpu.memref_slice %arg3[%run_scoped3A_12, %add3A_11] : memref<2x1600000xi32, #tpu.memory_space<hbm>> -> memref<1x5000xi32, #tpu.memory_space<hbm>>
        %dma_start3A_27 = tpu.memref_squeeze %dma_start3A_26 : memref<1x5000xi32, #tpu.memory_space<hbm>> -> memref<5000xi32, #tpu.memory_space<hbm>>
        tpu.enqueue_dma source(%dma_start3A_27 : memref<5000xi32, #tpu.memory_space<hbm>>) target(%arg7 : memref<5000xi32, #tpu.memory_space<vmem>>) target_semaphore(%run_scoped3A_23 : memref<!tpu.dma_semaphore, #tpu.memory_space<semaphore_mem>>)
        %dma_wait3A_28 = tpu.memref_slice %arg3[%run_scoped3A_12, %add3A_11] : memref<2x1600000xi32, #tpu.memory_space<hbm>> -> memref<1x5000xi32, #tpu.memory_space<hbm>>
        %dma_wait3A_29 = tpu.memref_squeeze %dma_wait3A_28 : memref<1x5000xi32, #tpu.memory_space<hbm>> -> memref<5000xi32, #tpu.memory_space<hbm>>
        %dma_wait3A_30 = tpu.memref_slice %arg3[%run_scoped3A_12, %add3A_11] : memref<2x1600000xi32, #tpu.memory_space<hbm>> -> memref<1x5000xi32, #tpu.memory_space<hbm>>
        %dma_wait3A_31 = tpu.memref_squeeze %dma_wait3A_30 : memref<1x5000xi32, #tpu.memory_space<hbm>> -> memref<5000xi32, #tpu.memory_space<hbm>>
        tpu.wait_dma2 semaphore(%run_scoped3A_23 : memref<!tpu.dma_semaphore, #tpu.memory_space<semaphore_mem>>) src(%dma_wait3A_31 : memref<5000xi32, #tpu.memory_space<hbm>>) dst(%arg7 : memref<5000xi32, #tpu.memory_space<vmem>>)
        tpu.yield
      }) : () -> ()
      %dma_start3A = arith.constant 0 : i32
      %dma_start3A_13 = arith.constant 0 : i32
      %dma_start3A_14 = tpu.memref_slice %arg2[%dma_start3A, %dma_start3A_13] : memref<100000x8xf32, #tpu.memory_space<hbm>> -> memref<100000x8xf32, #tpu.memory_space<hbm>>
      tpu.enqueue_indirect_dma source(%dma_start3A_14 : memref<100000x8xf32, #tpu.memory_space<hbm>>) target(%arg8 : memref<5000x8xf32, #tpu.memory_space<vmem>>) offsets(%arg6 : memref<5000xi32, #tpu.memory_space<vmem>>) semaphore(%arg10 : memref<!tpu.dma_semaphore, #tpu.memory_space<semaphore_mem>>)
      %dma_start3A_15 = arith.constant 0 : i32
      %dma_start3A_16 = arith.constant 0 : i32
      %dma_start3A_17 = tpu.memref_slice %arg2[%dma_start3A_15, %dma_start3A_16] : memref<100000x8xf32, #tpu.memory_space<hbm>> -> memref<100000x8xf32, #tpu.memory_space<hbm>>
      tpu.enqueue_indirect_dma source(%dma_start3A_17 : memref<100000x8xf32, #tpu.memory_space<hbm>>) target(%arg9 : memref<5000x8xf32, #tpu.memory_space<vmem>>) offsets(%arg7 : memref<5000xi32, #tpu.memory_space<vmem>>) semaphore(%arg11 : memref<!tpu.dma_semaphore, #tpu.memory_space<semaphore_mem>>)
      %dma_wait3A = arith.constant 0 : i32
      %dma_wait3A_18 = arith.constant 0 : i32
      %dma_wait3A_19 = tpu.memref_slice %arg2[%dma_wait3A, %dma_wait3A_18] : memref<100000x8xf32, #tpu.memory_space<hbm>> -> memref<100000x8xf32, #tpu.memory_space<hbm>>
      tpu.wait_indirect_dma semaphore(%arg10 : memref<!tpu.dma_semaphore, #tpu.memory_space<semaphore_mem>>) src(%dma_wait3A_19 : memref<100000x8xf32, #tpu.memory_space<hbm>>) dst(%arg8 : memref<5000x8xf32, #tpu.memory_space<vmem>>)
      %dma_wait3A_20 = arith.constant 0 : i32
      %dma_wait3A_21 = arith.constant 0 : i32
      %dma_wait3A_22 = tpu.memref_slice %arg2[%dma_wait3A_20, %dma_wait3A_21] : memref<100000x8xf32, #tpu.memory_space<hbm>> -> memref<100000x8xf32, #tpu.memory_space<hbm>>
      tpu.wait_indirect_dma semaphore(%arg11 : memref<!tpu.dma_semaphore, #tpu.memory_space<semaphore_mem>>) src(%dma_wait3A_22 : memref<100000x8xf32, #tpu.memory_space<hbm>>) dst(%arg9 : memref<5000x8xf32, #tpu.memory_space<vmem>>)
      "tpu.region"() ({
        %run_scoped3A_23 = tpu.sem_alloc : memref<!tpu.dma_semaphore, #tpu.memory_space<semaphore_mem>>
        %dma_start3A_24 = arith.constant 0 : i32
        %dma_start3A_25 = tpu.memref_slice %arg4[%add3A_11, %dma_start3A_24] : memref<1600000x8xf32, #tpu.memory_space<hbm>> -> memref<5000x8xf32, #tpu.memory_space<hbm>>
        %dma_start3A_26 = arith.constant 0 : i32
        %dma_start3A_27 = tpu.memref_slice %arg4[%add3A_11, %dma_start3A_26] : memref<1600000x8xf32, #tpu.memory_space<hbm>> -> memref<5000x8xf32, #tpu.memory_space<hbm>>
        tpu.enqueue_dma source(%arg8 : memref<5000x8xf32, #tpu.memory_space<vmem>>) target(%dma_start3A_27 : memref<5000x8xf32, #tpu.memory_space<hbm>>) target_semaphore(%run_scoped3A_23 : memref<!tpu.dma_semaphore, #tpu.memory_space<semaphore_mem>>)
        %dma_wait3A_28 = arith.constant 0 : i32
        %dma_wait3A_29 = tpu.memref_slice %arg4[%add3A_11, %dma_wait3A_28] : memref<1600000x8xf32, #tpu.memory_space<hbm>> -> memref<5000x8xf32, #tpu.memory_space<hbm>>
        %dma_wait3A_30 = arith.constant 0 : i32
        %dma_wait3A_31 = tpu.memref_slice %arg4[%add3A_11, %dma_wait3A_30] : memref<1600000x8xf32, #tpu.memory_space<hbm>> -> memref<5000x8xf32, #tpu.memory_space<hbm>>
        tpu.wait_dma2 semaphore(%run_scoped3A_23 : memref<!tpu.dma_semaphore, #tpu.memory_space<semaphore_mem>>) src(%arg8 : memref<5000x8xf32, #tpu.memory_space<vmem>>) dst(%dma_wait3A_31 : memref<5000x8xf32, #tpu.memory_space<hbm>>)
        tpu.yield
      }) : () -> ()
      "tpu.region"() ({
        %run_scoped3A_23 = tpu.sem_alloc : memref<!tpu.dma_semaphore, #tpu.memory_space<semaphore_mem>>
        %dma_start3A_24 = arith.constant 0 : i32
        %dma_start3A_25 = tpu.memref_slice %arg5[%add3A_11, %dma_start3A_24] : memref<1600000x8xf32, #tpu.memory_space<hbm>> -> memref<5000x8xf32, #tpu.memory_space<hbm>>
        %dma_start3A_26 = arith.constant 0 : i32
        %dma_start3A_27 = tpu.memref_slice %arg5[%add3A_11, %dma_start3A_26] : memref<1600000x8xf32, #tpu.memory_space<hbm>> -> memref<5000x8xf32, #tpu.memory_space<hbm>>
        tpu.enqueue_dma source(%arg9 : memref<5000x8xf32, #tpu.memory_space<vmem>>) target(%dma_start3A_27 : memref<5000x8xf32, #tpu.memory_space<hbm>>) target_semaphore(%run_scoped3A_23 : memref<!tpu.dma_semaphore, #tpu.memory_space<semaphore_mem>>)
        %dma_wait3A_28 = arith.constant 0 : i32
        %dma_wait3A_29 = tpu.memref_slice %arg5[%add3A_11, %dma_wait3A_28] : memref<1600000x8xf32, #tpu.memory_space<hbm>> -> memref<5000x8xf32, #tpu.memory_space<hbm>>
        %dma_wait3A_30 = arith.constant 0 : i32
        %dma_wait3A_31 = tpu.memref_slice %arg5[%add3A_11, %dma_wait3A_30] : memref<1600000x8xf32, #tpu.memory_space<hbm>> -> memref<5000x8xf32, #tpu.memory_space<hbm>>
        tpu.wait_dma2 semaphore(%run_scoped3A_23 : memref<!tpu.dma_semaphore, #tpu.memory_space<semaphore_mem>>) src(%arg9 : memref<5000x8xf32, #tpu.memory_space<vmem>>) dst(%dma_wait3A_31 : memref<5000x8xf32, #tpu.memory_space<hbm>>)
        tpu.yield
      }) : () -> ()
    }
    %scan3A_7 = arith.constant 10 : i32
    return
  }
}

module attributes {stable_mosaic.version = 14 : i64} {
  func.func @body(%arg0: memref<3125x128xf32, #tpu.memory_space<vmem>>, %arg1: memref<128x256xf32, #tpu.memory_space<vmem>>, %arg2: memref<8x128xf32, #tpu.memory_space<vmem>>, %arg3: memref<3125x256xf32, #tpu.memory_space<vmem>>) attributes {dimension_semantics = [], scalar_prefetch = 0 : i64, scratch_operands = 0 : i64, tpu.core_type = #tpu.core_type<tc>} {
    %get3A = arith.constant 0 : index
    %get3A_0 = arith.constant 0 : index
    %get3A_1 = vector.load %arg0[%get3A, %get3A_0] : memref<3125x128xf32, #tpu.memory_space<vmem>>, vector<3125x128xf32>
    %reduce_sum3A = arith.constant dense<0.000000e+00> : vector<128xf32>
    %reduce_sum3A_2 = vector.multi_reduction <add>, %get3A_1, %reduce_sum3A [0] : vector<3125x128xf32> to vector<128xf32>
    %broadcast_in_dim3A = vector.shape_cast %reduce_sum3A_2 : vector<128xf32> to vector<1x128xf32>
    %mul3A = arith.mulf %get3A_1, %get3A_1 : vector<3125x128xf32>
    %reduce_sum3A_3 = arith.constant dense<0.000000e+00> : vector<128xf32>
    %reduce_sum3A_4 = vector.multi_reduction <add>, %mul3A, %reduce_sum3A_3 [0] : vector<3125x128xf32> to vector<128xf32>
    %broadcast_in_dim3A_5 = vector.shape_cast %reduce_sum3A_4 : vector<128xf32> to vector<1x128xf32>
    %broadcast_in_dim3A_6 = arith.constant 0.000000e+00 : f32
    %broadcast_in_dim3A_7 = vector.broadcast %broadcast_in_dim3A_6 : f32 to vector<6x128xf32>
    %concatenate3A = tpu.concatenate %broadcast_in_dim3A, %broadcast_in_dim3A_5, %broadcast_in_dim3A_7 in 0 : vector<1x128xf32>, vector<1x128xf32>, vector<6x128xf32> -> vector<8x128xf32>
    %swap3A = arith.constant 0 : index
    %swap3A_8 = arith.constant 0 : index
    %swap3A_9 = vector.load %arg2[%swap3A, %swap3A_8] : memref<8x128xf32, #tpu.memory_space<vmem>>, vector<8x128xf32>
    tpu.vector_store %arg2[%swap3A, %swap3A_8], %concatenate3A {strides = array<i32>} : memref<8x128xf32, #tpu.memory_space<vmem>>, vector<8x128xf32>,
    %get3A_10 = arith.constant 0 : index
    %get3A_11 = arith.constant 0 : index
    %get3A_12 = vector.load %arg1[%get3A_10, %get3A_11] : memref<128x256xf32, #tpu.memory_space<vmem>>, vector<128x256xf32>
    %dot_general3A = arith.constant dense<0.000000e+00> : vector<3125x256xf32>
    %dot_general3A_13 = tpu.matmul %get3A_1, %get3A_12, %dot_general3A {dimension_numbers = #tpu.dot_dimension_numbers<[1], [0], [0], [1], [0, 0, 1, 1], [], []>, transpose_lhs_hint = false} : vector<3125x128xf32>, vector<128x256xf32>, vector<3125x256xf32> -> vector<3125x256xf32>
    %swap3A_14 = arith.constant 0 : index
    %swap3A_15 = arith.constant 0 : index
    %swap3A_16 = vector.load %arg3[%swap3A_14, %swap3A_15] : memref<3125x256xf32, #tpu.memory_space<vmem>>, vector<3125x256xf32>
    tpu.vector_store %arg3[%swap3A_14, %swap3A_15], %dot_general3A_13 {strides = array<i32>} : memref<3125x256xf32, #tpu.memory_space<vmem>>, vector<3125x256xf32>,
    return
  }
}

module attributes {stable_mosaic.version = 14 : i64} {
  func.func @body(%arg0: i32, %arg1: memref<5000x128xf32, #tpu.memory_space<vmem>>, %arg2: memref<5000x128xf32, #tpu.memory_space<vmem>>, %arg3: memref<128x512xf32, #tpu.memory_space<vmem>>, %arg4: memref<128x512xf32, #tpu.memory_space<vmem>>, %arg5: memref<1x512xf32, #tpu.memory_space<vmem>>, %arg6: memref<512x512xf32, #tpu.memory_space<vmem>>, %arg7: memref<1x512xf32, #tpu.memory_space<vmem>>, %arg8: memref<512x128xf32, #tpu.memory_space<vmem>>, %arg9: memref<1x128xf32, #tpu.memory_space<vmem>>, %arg10: memref<1x128xf32, #tpu.memory_space<vmem>>, %arg11: memref<5000x128xf32, #tpu.memory_space<vmem>>) attributes {dimension_semantics = [#tpu.dimension_semantics<arbitrary>], iteration_bounds = array<i64: 20>, scalar_prefetch = 0 : i64, scratch_operands = 0 : i64, tpu.core_type = #tpu.core_type<tc>, window_params = [{transform_indices = @transform_0, window_bounds = array<i64: 5000, 128>}, {transform_indices = @transform_1, window_bounds = array<i64: 5000, 128>}, {pipeline_mode = #tpu.pipeline_mode<synchronous>, transform_indices = @transform_2, window_bounds = array<i64: 128, 512>}, {pipeline_mode = #tpu.pipeline_mode<synchronous>, transform_indices = @transform_3, window_bounds = array<i64: 128, 512>}, {pipeline_mode = #tpu.pipeline_mode<synchronous>, transform_indices = @transform_4, window_bounds = array<i64: 1, 512>}, {pipeline_mode = #tpu.pipeline_mode<synchronous>, transform_indices = @transform_5, window_bounds = array<i64: 512, 512>}, {pipeline_mode = #tpu.pipeline_mode<synchronous>, transform_indices = @transform_6, window_bounds = array<i64: 1, 512>}, {pipeline_mode = #tpu.pipeline_mode<synchronous>, transform_indices = @transform_7, window_bounds = array<i64: 512, 128>}, {pipeline_mode = #tpu.pipeline_mode<synchronous>, transform_indices = @transform_8, window_bounds = array<i64: 1, 128>}, {pipeline_mode = #tpu.pipeline_mode<synchronous>, transform_indices = @transform_9, window_bounds = array<i64: 1, 128>}, {transform_indices = @transform_10, window_bounds = array<i64: 5000, 128>}]} {
    %get3A = arith.constant 0 : index
    %get3A_0 = arith.constant 0 : index
    %get3A_1 = vector.load %arg1[%get3A, %get3A_0] : memref<5000x128xf32, #tpu.memory_space<vmem>>, vector<5000x128xf32>
    %get3A_2 = arith.constant 0 : index
    %get3A_3 = arith.constant 0 : index
    %get3A_4 = vector.load %arg3[%get3A_2, %get3A_3] : memref<128x512xf32, #tpu.memory_space<vmem>>, vector<128x512xf32>
    %dot_general3A = arith.constant dense<0.000000e+00> : vector<5000x512xf32>
    %dot_general3A_5 = tpu.matmul %get3A_1, %get3A_4, %dot_general3A {dimension_numbers = #tpu.dot_dimension_numbers<[1], [0], [0], [1], [0, 0, 1, 1], [], []>, transpose_lhs_hint = false} : vector<5000x128xf32>, vector<128x512xf32>, vector<5000x512xf32> -> vector<5000x512xf32>
    %get3A_6 = arith.constant 0 : index
    %get3A_7 = arith.constant 0 : index
    %get3A_8 = vector.load %arg2[%get3A_6, %get3A_7] : memref<5000x128xf32, #tpu.memory_space<vmem>>, vector<5000x128xf32>
    %get3A_9 = arith.constant 0 : index
    %get3A_10 = arith.constant 0 : index
    %get3A_11 = vector.load %arg4[%get3A_9, %get3A_10] : memref<128x512xf32, #tpu.memory_space<vmem>>, vector<128x512xf32>
    %dot_general3A_12 = arith.constant dense<0.000000e+00> : vector<5000x512xf32>
    %dot_general3A_13 = tpu.matmul %get3A_8, %get3A_11, %dot_general3A_12 {dimension_numbers = #tpu.dot_dimension_numbers<[1], [0], [0], [1], [0, 0, 1, 1], [], []>, transpose_lhs_hint = false} : vector<5000x128xf32>, vector<128x512xf32>, vector<5000x512xf32> -> vector<5000x512xf32>
    %add3A = arith.addf %dot_general3A_5, %dot_general3A_13 : vector<5000x512xf32>
    %get3A_14 = arith.constant 0 : index
    %get3A_15 = arith.constant 0 : index
    %get3A_16 = vector.load %arg5[%get3A_14, %get3A_15] : memref<1x512xf32, #tpu.memory_space<vmem>>, vector<1x512xf32>
    %add3A_17 = vector.broadcast %get3A_16 : vector<1x512xf32> to vector<5000x512xf32>
    %add3A_18 = arith.addf %add3A, %add3A_17 : vector<5000x512xf32>
    %max3A = arith.constant 0.000000e+00 : f32
    %max3A_19 = vector.broadcast %max3A : f32 to vector<5000x512xf32>
    %max3A_20 = arith.maximumf %add3A_18, %max3A_19 : vector<5000x512xf32>
    %get3A_21 = arith.constant 0 : index
    %get3A_22 = arith.constant 0 : index
    %get3A_23 = vector.load %arg6[%get3A_21, %get3A_22] : memref<512x512xf32, #tpu.memory_space<vmem>>, vector<512x512xf32>
    %dot_general3A_24 = arith.constant dense<0.000000e+00> : vector<5000x512xf32>
    %dot_general3A_25 = tpu.matmul %max3A_20, %get3A_23, %dot_general3A_24 {dimension_numbers = #tpu.dot_dimension_numbers<[1], [0], [0], [1], [0, 0, 1, 1], [], []>, transpose_lhs_hint = false} : vector<5000x512xf32>, vector<512x512xf32>, vector<5000x512xf32> -> vector<5000x512xf32>
    %get3A_26 = arith.constant 0 : index
    %get3A_27 = arith.constant 0 : index
    %get3A_28 = vector.load %arg7[%get3A_26, %get3A_27] : memref<1x512xf32, #tpu.memory_space<vmem>>, vector<1x512xf32>
    %add3A_29 = vector.broadcast %get3A_28 : vector<1x512xf32> to vector<5000x512xf32>
    %add3A_30 = arith.addf %dot_general3A_25, %add3A_29 : vector<5000x512xf32>
    %max3A_31 = arith.constant 0.000000e+00 : f32
    %max3A_32 = vector.broadcast %max3A_31 : f32 to vector<5000x512xf32>
    %max3A_33 = arith.maximumf %add3A_30, %max3A_32 : vector<5000x512xf32>
    %get3A_34 = arith.constant 0 : index
    %get3A_35 = arith.constant 0 : index
    %get3A_36 = vector.load %arg8[%get3A_34, %get3A_35] : memref<512x128xf32, #tpu.memory_space<vmem>>, vector<512x128xf32>
    %dot_general3A_37 = arith.constant dense<0.000000e+00> : vector<5000x128xf32>
    %dot_general3A_38 = tpu.matmul %max3A_33, %get3A_36, %dot_general3A_37 {dimension_numbers = #tpu.dot_dimension_numbers<[1], [0], [0], [1], [0, 0, 1, 1], [], []>, transpose_lhs_hint = false} : vector<5000x512xf32>, vector<512x128xf32>, vector<5000x128xf32> -> vector<5000x128xf32>
    %get3A_39 = arith.constant 0 : index
    %get3A_40 = arith.constant 0 : index
    %get3A_41 = vector.load %arg9[%get3A_39, %get3A_40] : memref<1x128xf32, #tpu.memory_space<vmem>>, vector<1x128xf32>
    %add3A_42 = vector.broadcast %get3A_41 : vector<1x128xf32> to vector<5000x128xf32>
    %add3A_43 = arith.addf %dot_general3A_38, %add3A_42 : vector<5000x128xf32>
    %max3A_44 = arith.constant 0.000000e+00 : f32
    %max3A_45 = vector.broadcast %max3A_44 : f32 to vector<5000x128xf32>
    %max3A_46 = arith.maximumf %add3A_43, %max3A_45 : vector<5000x128xf32>
    %get3A_47 = arith.constant 0 : index
    %get3A_48 = arith.constant 0 : index
    %get3A_49 = vector.load %arg10[%get3A_47, %get3A_48] : memref<1x128xf32, #tpu.memory_space<vmem>>, vector<1x128xf32>
    %add3A_50 = vector.broadcast %get3A_49 : vector<1x128xf32> to vector<5000x128xf32>
    %add3A_51 = arith.addf %max3A_46, %add3A_50 : vector<5000x128xf32>
    %swap3A = arith.constant 0 : index
    %swap3A_52 = arith.constant 0 : index
    %swap3A_53 = vector.load %arg11[%swap3A, %swap3A_52] : memref<5000x128xf32, #tpu.memory_space<vmem>>, vector<5000x128xf32>
    tpu.vector_store %arg11[%swap3A, %swap3A_52], %add3A_51 {strides = array<i32>} : memref<5000x128xf32, #tpu.memory_space<vmem>>, vector<5000x128xf32>,
    return
  }
  func.func @transform_0(%arg0: i32) -> (i32, i32) {
    %c0_i32 = arith.constant 0 : i32
    %c0_i32_0 = arith.constant 0 : i32
    return %arg0, %c0_i32 : i32, i32
  }
  func.func @transform_1(%arg0: i32) -> (i32, i32) {
    %c0_i32 = arith.constant 0 : i32
    %c0_i32_0 = arith.constant 0 : i32
    return %arg0, %c0_i32 : i32, i32
  }
  func.func @transform_2(%arg0: i32) -> (i32, i32) {
    %c0_i32 = arith.constant 0 : i32
    %c0_i32_0 = arith.constant 0 : i32
    %c0_i32_1 = arith.constant 0 : i32
    return %c0_i32, %c0_i32_0 : i32, i32
  }
  func.func @transform_3(%arg0: i32) -> (i32, i32) {
    %c0_i32 = arith.constant 0 : i32
    %c0_i32_0 = arith.constant 0 : i32
    %c0_i32_1 = arith.constant 0 : i32
    return %c0_i32, %c0_i32_0 : i32, i32
  }
  func.func @transform_4(%arg0: i32) -> (i32, i32) {
    %c0_i32 = arith.constant 0 : i32
    %c0_i32_0 = arith.constant 0 : i32
    %c0_i32_1 = arith.constant 0 : i32
    return %c0_i32, %c0_i32_0 : i32, i32
  }
  func.func @transform_5(%arg0: i32) -> (i32, i32) {
    %c0_i32 = arith.constant 0 : i32
    %c0_i32_0 = arith.constant 0 : i32
    %c0_i32_1 = arith.constant 0 : i32
    return %c0_i32, %c0_i32_0 : i32, i32
  }
  func.func @transform_6(%arg0: i32) -> (i32, i32) {
    %c0_i32 = arith.constant 0 : i32
    %c0_i32_0 = arith.constant 0 : i32
    %c0_i32_1 = arith.constant 0 : i32
    return %c0_i32, %c0_i32_0 : i32, i32
  }
  func.func @transform_7(%arg0: i32) -> (i32, i32) {
    %c0_i32 = arith.constant 0 : i32
    %c0_i32_0 = arith.constant 0 : i32
    %c0_i32_1 = arith.constant 0 : i32
    return %c0_i32, %c0_i32_0 : i32, i32
  }
  func.func @transform_8(%arg0: i32) -> (i32, i32) {
    %c0_i32 = arith.constant 0 : i32
    %c0_i32_0 = arith.constant 0 : i32
    %c0_i32_1 = arith.constant 0 : i32
    return %c0_i32, %c0_i32_0 : i32, i32
  }
  func.func @transform_9(%arg0: i32) -> (i32, i32) {
    %c0_i32 = arith.constant 0 : i32
    %c0_i32_0 = arith.constant 0 : i32
    %c0_i32_1 = arith.constant 0 : i32
    return %c0_i32, %c0_i32_0 : i32, i32
  }
  func.func @transform_10(%arg0: i32) -> (i32, i32) {
    %c0_i32 = arith.constant 0 : i32
    %c0_i32_0 = arith.constant 0 : i32
    return %arg0, %c0_i32 : i32, i32
  }
}

module attributes {stable_mosaic.version = 14 : i64} {
  func.func @body(%arg0: memref<2x6250x128xf32, #tpu.memory_space<vmem>>, %arg1: memref<128x128xf32, #tpu.memory_space<vmem>>, %arg2: memref<1x128xf32, #tpu.memory_space<vmem>>, %arg3: memref<6250x128xf32, #tpu.memory_space<vmem>>, %arg4: memref<6250x128xf32, #tpu.memory_space<vmem>>) attributes {dimension_semantics = [], scalar_prefetch = 0 : i64, scratch_operands = 0 : i64, tpu.core_type = #tpu.core_type<tc>} {
    %get3A = arith.constant 0 : index
    %get3A_0 = arith.constant 0 : index
    %get3A_1 = arith.constant 0 : index
    %get3A_2 = vector.load %arg0[%get3A, %get3A_0, %get3A_1] : memref<2x6250x128xf32, #tpu.memory_space<vmem>>, vector<1x6250x128xf32>
    %get3A_3 = vector.shape_cast %get3A_2 : vector<1x6250x128xf32> to vector<6250x128xf32>
    %get3A_4 = arith.constant 1 : index
    %get3A_5 = arith.constant 0 : index
    %get3A_6 = arith.constant 0 : index
    %get3A_7 = vector.load %arg0[%get3A_4, %get3A_5, %get3A_6] : memref<2x6250x128xf32, #tpu.memory_space<vmem>>, vector<1x6250x128xf32>
    %get3A_8 = vector.shape_cast %get3A_7 : vector<1x6250x128xf32> to vector<6250x128xf32>
    %add3A = arith.addf %get3A_3, %get3A_8 : vector<6250x128xf32>
    %get3A_9 = arith.constant 0 : index
    %get3A_10 = arith.constant 0 : index
    %get3A_11 = vector.load %arg1[%get3A_9, %get3A_10] : memref<128x128xf32, #tpu.memory_space<vmem>>, vector<128x128xf32>
    %dot_general3A = arith.constant dense<0.000000e+00> : vector<6250x128xf32>
    %dot_general3A_12 = tpu.matmul %add3A, %get3A_11, %dot_general3A {dimension_numbers = #tpu.dot_dimension_numbers<[1], [0], [0], [1], [0, 0, 1, 1], [], []>, transpose_lhs_hint = false} : vector<6250x128xf32>, vector<128x128xf32>, vector<6250x128xf32> -> vector<6250x128xf32>
    %max3A = arith.constant 1.000000e+00 : f32
    %max3A_13 = vector.broadcast %max3A : f32 to vector<6250x128xf32>
    %max3A_14 = arith.maximumf %dot_general3A_12, %max3A_13 : vector<6250x128xf32>
    %get3A_15 = arith.constant 0 : index
    %get3A_16 = arith.constant 0 : index
    %get3A_17 = vector.load %arg2[%get3A_15, %get3A_16] : memref<1x128xf32, #tpu.memory_space<vmem>>, vector<1x128xf32>
    %mul3A = vector.broadcast %get3A_17 : vector<1x128xf32> to vector<6250x128xf32>
    %mul3A_18 = arith.mulf %add3A, %mul3A : vector<6250x128xf32>
    %div3A = arith.divf %mul3A_18, %max3A_14 : vector<6250x128xf32>
    %swap3A = arith.constant 0 : index
    %swap3A_19 = arith.constant 0 : index
    %swap3A_20 = vector.load %arg3[%swap3A, %swap3A_19] : memref<6250x128xf32, #tpu.memory_space<vmem>>, vector<6250x128xf32>
    tpu.vector_store %arg3[%swap3A, %swap3A_19], %div3A {strides = array<i32>} : memref<6250x128xf32, #tpu.memory_space<vmem>>, vector<6250x128xf32>,
    %swap3A_21 = arith.constant 0 : index
    %swap3A_22 = arith.constant 0 : index
    %swap3A_23 = vector.load %arg4[%swap3A_21, %swap3A_22] : memref<6250x128xf32, #tpu.memory_space<vmem>>, vector<6250x128xf32>
    tpu.vector_store %arg4[%swap3A_21, %swap3A_22], %max3A_14 {strides = array<i32>} : memref<6250x128xf32, #tpu.memory_space<vmem>>, vector<6250x128xf32>,
    return
  }
}

module attributes {stable_mosaic.version = 14 : i64} {
  func.func @body(%arg0: i32, %arg1: memref<5000x128xf32, #tpu.memory_space<vmem>>, %arg2: memref<5000x128xf32, #tpu.memory_space<vmem>>, %arg3: memref<128x512xf32, #tpu.memory_space<vmem>>, %arg4: memref<128x512xf32, #tpu.memory_space<vmem>>, %arg5: memref<1x512xf32, #tpu.memory_space<vmem>>, %arg6: memref<512x512xf32, #tpu.memory_space<vmem>>, %arg7: memref<1x512xf32, #tpu.memory_space<vmem>>, %arg8: memref<512x128xf32, #tpu.memory_space<vmem>>, %arg9: memref<1x128xf32, #tpu.memory_space<vmem>>, %arg10: memref<1x128xf32, #tpu.memory_space<vmem>>, %arg11: memref<5000x128xf32, #tpu.memory_space<vmem>>) attributes {dimension_semantics = [#tpu.dimension_semantics<arbitrary>], iteration_bounds = array<i64: 20>, scalar_prefetch = 0 : i64, scratch_operands = 0 : i64, tpu.core_type = #tpu.core_type<tc>, window_params = [{transform_indices = @transform_0, window_bounds = array<i64: 5000, 128>}, {transform_indices = @transform_1, window_bounds = array<i64: 5000, 128>}, {pipeline_mode = #tpu.pipeline_mode<synchronous>, transform_indices = @transform_2, window_bounds = array<i64: 128, 512>}, {pipeline_mode = #tpu.pipeline_mode<synchronous>, transform_indices = @transform_3, window_bounds = array<i64: 128, 512>}, {pipeline_mode = #tpu.pipeline_mode<synchronous>, transform_indices = @transform_4, window_bounds = array<i64: 1, 512>}, {pipeline_mode = #tpu.pipeline_mode<synchronous>, transform_indices = @transform_5, window_bounds = array<i64: 512, 512>}, {pipeline_mode = #tpu.pipeline_mode<synchronous>, transform_indices = @transform_6, window_bounds = array<i64: 1, 512>}, {pipeline_mode = #tpu.pipeline_mode<synchronous>, transform_indices = @transform_7, window_bounds = array<i64: 512, 128>}, {pipeline_mode = #tpu.pipeline_mode<synchronous>, transform_indices = @transform_8, window_bounds = array<i64: 1, 128>}, {pipeline_mode = #tpu.pipeline_mode<synchronous>, transform_indices = @transform_9, window_bounds = array<i64: 1, 128>}, {transform_indices = @transform_10, window_bounds = array<i64: 5000, 128>}]} {
    %get3A = arith.constant 0 : index
    %get3A_0 = arith.constant 0 : index
    %get3A_1 = vector.load %arg1[%get3A, %get3A_0] : memref<5000x128xf32, #tpu.memory_space<vmem>>, vector<5000x128xf32>
    %get3A_2 = arith.constant 0 : index
    %get3A_3 = arith.constant 0 : index
    %get3A_4 = vector.load %arg3[%get3A_2, %get3A_3] : memref<128x512xf32, #tpu.memory_space<vmem>>, vector<128x512xf32>
    %dot_general3A = arith.constant dense<0.000000e+00> : vector<5000x512xf32>
    %dot_general3A_5 = tpu.matmul %get3A_1, %get3A_4, %dot_general3A {dimension_numbers = #tpu.dot_dimension_numbers<[1], [0], [0], [1], [0, 0, 1, 1], [], []>, transpose_lhs_hint = false} : vector<5000x128xf32>, vector<128x512xf32>, vector<5000x512xf32> -> vector<5000x512xf32>
    %get3A_6 = arith.constant 0 : index
    %get3A_7 = arith.constant 0 : index
    %get3A_8 = vector.load %arg2[%get3A_6, %get3A_7] : memref<5000x128xf32, #tpu.memory_space<vmem>>, vector<5000x128xf32>
    %get3A_9 = arith.constant 0 : index
    %get3A_10 = arith.constant 0 : index
    %get3A_11 = vector.load %arg4[%get3A_9, %get3A_10] : memref<128x512xf32, #tpu.memory_space<vmem>>, vector<128x512xf32>
    %dot_general3A_12 = arith.constant dense<0.000000e+00> : vector<5000x512xf32>
    %dot_general3A_13 = tpu.matmul %get3A_8, %get3A_11, %dot_general3A_12 {dimension_numbers = #tpu.dot_dimension_numbers<[1], [0], [0], [1], [0, 0, 1, 1], [], []>, transpose_lhs_hint = false} : vector<5000x128xf32>, vector<128x512xf32>, vector<5000x512xf32> -> vector<5000x512xf32>
    %add3A = arith.addf %dot_general3A_5, %dot_general3A_13 : vector<5000x512xf32>
    %get3A_14 = arith.constant 0 : index
    %get3A_15 = arith.constant 0 : index
    %get3A_16 = vector.load %arg5[%get3A_14, %get3A_15] : memref<1x512xf32, #tpu.memory_space<vmem>>, vector<1x512xf32>
    %add3A_17 = vector.broadcast %get3A_16 : vector<1x512xf32> to vector<5000x512xf32>
    %add3A_18 = arith.addf %add3A, %add3A_17 : vector<5000x512xf32>
    %max3A = arith.constant 0.000000e+00 : f32
    %max3A_19 = vector.broadcast %max3A : f32 to vector<5000x512xf32>
    %max3A_20 = arith.maximumf %add3A_18, %max3A_19 : vector<5000x512xf32>
    %get3A_21 = arith.constant 0 : index
    %get3A_22 = arith.constant 0 : index
    %get3A_23 = vector.load %arg6[%get3A_21, %get3A_22] : memref<512x512xf32, #tpu.memory_space<vmem>>, vector<512x512xf32>
    %dot_general3A_24 = arith.constant dense<0.000000e+00> : vector<5000x512xf32>
    %dot_general3A_25 = tpu.matmul %max3A_20, %get3A_23, %dot_general3A_24 {dimension_numbers = #tpu.dot_dimension_numbers<[1], [0], [0], [1], [0, 0, 1, 1], [], []>, transpose_lhs_hint = false} : vector<5000x512xf32>, vector<512x512xf32>, vector<5000x512xf32> -> vector<5000x512xf32>
    %get3A_26 = arith.constant 0 : index
    %get3A_27 = arith.constant 0 : index
    %get3A_28 = vector.load %arg7[%get3A_26, %get3A_27] : memref<1x512xf32, #tpu.memory_space<vmem>>, vector<1x512xf32>
    %add3A_29 = vector.broadcast %get3A_28 : vector<1x512xf32> to vector<5000x512xf32>
    %add3A_30 = arith.addf %dot_general3A_25, %add3A_29 : vector<5000x512xf32>
    %max3A_31 = arith.constant 0.000000e+00 : f32
    %max3A_32 = vector.broadcast %max3A_31 : f32 to vector<5000x512xf32>
    %max3A_33 = arith.maximumf %add3A_30, %max3A_32 : vector<5000x512xf32>
    %get3A_34 = arith.constant 0 : index
    %get3A_35 = arith.constant 0 : index
    %get3A_36 = vector.load %arg8[%get3A_34, %get3A_35] : memref<512x128xf32, #tpu.memory_space<vmem>>, vector<512x128xf32>
    %dot_general3A_37 = arith.constant dense<0.000000e+00> : vector<5000x128xf32>
    %dot_general3A_38 = tpu.matmul %max3A_33, %get3A_36, %dot_general3A_37 {dimension_numbers = #tpu.dot_dimension_numbers<[1], [0], [0], [1], [0, 0, 1, 1], [], []>, transpose_lhs_hint = false} : vector<5000x512xf32>, vector<512x128xf32>, vector<5000x128xf32> -> vector<5000x128xf32>
    %get3A_39 = arith.constant 0 : index
    %get3A_40 = arith.constant 0 : index
    %get3A_41 = vector.load %arg9[%get3A_39, %get3A_40] : memref<1x128xf32, #tpu.memory_space<vmem>>, vector<1x128xf32>
    %add3A_42 = vector.broadcast %get3A_41 : vector<1x128xf32> to vector<5000x128xf32>
    %add3A_43 = arith.addf %dot_general3A_38, %add3A_42 : vector<5000x128xf32>
    %get3A_44 = arith.constant 0 : index
    %get3A_45 = arith.constant 0 : index
    %get3A_46 = vector.load %arg10[%get3A_44, %get3A_45] : memref<1x128xf32, #tpu.memory_space<vmem>>, vector<1x128xf32>
    %add3A_47 = vector.broadcast %get3A_46 : vector<1x128xf32> to vector<5000x128xf32>
    %add3A_48 = arith.addf %add3A_43, %add3A_47 : vector<5000x128xf32>
    %swap3A = arith.constant 0 : index
    %swap3A_49 = arith.constant 0 : index
    %swap3A_50 = vector.load %arg11[%swap3A, %swap3A_49] : memref<5000x128xf32, #tpu.memory_space<vmem>>, vector<5000x128xf32>
    tpu.vector_store %arg11[%swap3A, %swap3A_49], %add3A_48 {strides = array<i32>} : memref<5000x128xf32, #tpu.memory_space<vmem>>, vector<5000x128xf32>,
    return
  }
  func.func @transform_0(%arg0: i32) -> (i32, i32) {
    %c0_i32 = arith.constant 0 : i32
    %c0_i32_0 = arith.constant 0 : i32
    return %arg0, %c0_i32 : i32, i32
  }
  func.func @transform_1(%arg0: i32) -> (i32, i32) {
    %c0_i32 = arith.constant 0 : i32
    %c0_i32_0 = arith.constant 0 : i32
    return %arg0, %c0_i32 : i32, i32
  }
  func.func @transform_2(%arg0: i32) -> (i32, i32) {
    %c0_i32 = arith.constant 0 : i32
    %c0_i32_0 = arith.constant 0 : i32
    %c0_i32_1 = arith.constant 0 : i32
    return %c0_i32, %c0_i32_0 : i32, i32
  }
  func.func @transform_3(%arg0: i32) -> (i32, i32) {
    %c0_i32 = arith.constant 0 : i32
    %c0_i32_0 = arith.constant 0 : i32
    %c0_i32_1 = arith.constant 0 : i32
    return %c0_i32, %c0_i32_0 : i32, i32
  }
  func.func @transform_4(%arg0: i32) -> (i32, i32) {
    %c0_i32 = arith.constant 0 : i32
    %c0_i32_0 = arith.constant 0 : i32
    %c0_i32_1 = arith.constant 0 : i32
    return %c0_i32, %c0_i32_0 : i32, i32
  }
  func.func @transform_5(%arg0: i32) -> (i32, i32) {
    %c0_i32 = arith.constant 0 : i32
    %c0_i32_0 = arith.constant 0 : i32
    %c0_i32_1 = arith.constant 0 : i32
    return %c0_i32, %c0_i32_0 : i32, i32
  }
  func.func @transform_6(%arg0: i32) -> (i32, i32) {
    %c0_i32 = arith.constant 0 : i32
    %c0_i32_0 = arith.constant 0 : i32
    %c0_i32_1 = arith.constant 0 : i32
    return %c0_i32, %c0_i32_0 : i32, i32
  }
  func.func @transform_7(%arg0: i32) -> (i32, i32) {
    %c0_i32 = arith.constant 0 : i32
    %c0_i32_0 = arith.constant 0 : i32
    %c0_i32_1 = arith.constant 0 : i32
    return %c0_i32, %c0_i32_0 : i32, i32
  }
  func.func @transform_8(%arg0: i32) -> (i32, i32) {
    %c0_i32 = arith.constant 0 : i32
    %c0_i32_0 = arith.constant 0 : i32
    %c0_i32_1 = arith.constant 0 : i32
    return %c0_i32, %c0_i32_0 : i32, i32
  }
  func.func @transform_9(%arg0: i32) -> (i32, i32) {
    %c0_i32 = arith.constant 0 : i32
    %c0_i32_0 = arith.constant 0 : i32
    %c0_i32_1 = arith.constant 0 : i32
    return %c0_i32, %c0_i32_0 : i32, i32
  }
  func.func @transform_10(%arg0: i32) -> (i32, i32) {
    %c0_i32 = arith.constant 0 : i32
    %c0_i32_0 = arith.constant 0 : i32
    return %arg0, %c0_i32 : i32, i32
  }
}

module attributes {stable_mosaic.version = 14 : i64} {
  func.func @body(%arg0: memref<2x6250x128xf32, #tpu.memory_space<vmem>>, %arg1: memref<6250x128xf32, #tpu.memory_space<vmem>>, %arg2: memref<128x64xf32, #tpu.memory_space<vmem>>, %arg3: memref<6250x64xf32, #tpu.memory_space<vmem>>) attributes {dimension_semantics = [], scalar_prefetch = 0 : i64, scratch_operands = 0 : i64, tpu.core_type = #tpu.core_type<tc>} {
    %get3A = arith.constant 0 : index
    %get3A_0 = arith.constant 0 : index
    %get3A_1 = arith.constant 0 : index
    %get3A_2 = vector.load %arg0[%get3A, %get3A_0, %get3A_1] : memref<2x6250x128xf32, #tpu.memory_space<vmem>>, vector<1x6250x128xf32>
    %get3A_3 = vector.shape_cast %get3A_2 : vector<1x6250x128xf32> to vector<6250x128xf32>
    %get3A_4 = arith.constant 1 : index
    %get3A_5 = arith.constant 0 : index
    %get3A_6 = arith.constant 0 : index
    %get3A_7 = vector.load %arg0[%get3A_4, %get3A_5, %get3A_6] : memref<2x6250x128xf32, #tpu.memory_space<vmem>>, vector<1x6250x128xf32>
    %get3A_8 = vector.shape_cast %get3A_7 : vector<1x6250x128xf32> to vector<6250x128xf32>
    %add3A = arith.addf %get3A_3, %get3A_8 : vector<6250x128xf32>
    %get3A_9 = arith.constant 0 : index
    %get3A_10 = arith.constant 0 : index
    %get3A_11 = vector.load %arg1[%get3A_9, %get3A_10] : memref<6250x128xf32, #tpu.memory_space<vmem>>, vector<6250x128xf32>
    %div3A = arith.divf %add3A, %get3A_11 : vector<6250x128xf32>
    %get3A_12 = arith.constant 0 : index
    %get3A_13 = arith.constant 0 : index
    %get3A_14 = vector.load %arg2[%get3A_12, %get3A_13] : memref<128x64xf32, #tpu.memory_space<vmem>>, vector<128x64xf32>
    %dot_general3A = arith.constant dense<0.000000e+00> : vector<6250x64xf32>
    %dot_general3A_15 = tpu.matmul %div3A, %get3A_14, %dot_general3A {dimension_numbers = #tpu.dot_dimension_numbers<[1], [0], [0], [1], [0, 0, 1, 1], [], []>, transpose_lhs_hint = false} : vector<6250x128xf32>, vector<128x64xf32>, vector<6250x64xf32> -> vector<6250x64xf32>
    %swap3A = arith.constant 0 : index
    %swap3A_16 = arith.constant 0 : index
    %swap3A_17 = vector.load %arg3[%swap3A, %swap3A_16] : memref<6250x64xf32, #tpu.memory_space<vmem>>, vector<6250x64xf32>
    tpu.vector_store %arg3[%swap3A, %swap3A_16], %dot_general3A_15 {strides = array<i32>} : memref<6250x64xf32, #tpu.memory_space<vmem>>, vector<6250x64xf32>,
    return
  }
}

</mosaic_0001>

<sc_bundles>
// kernel: kernel.11.cloned.1.call-start
scs
__scs_entry_jumppad:
0x0: {  	(pc) =	sbr.rel $0x88, $3  }
0x1: {  	(tag) =	ssettag $0x0;
	lr =	simm.s32 $0x1  }
0x2: {  	[smem:$0x3F91] =	sst lr;
	_ =	strace $0xD0000000  }
0x3: {  	_ = 	snop  }
0x4: {  	_ = 	snop  }
0x5: {  	_ = 	snop  }
0x6: {  	_ = 	snop  }
0x7: {  	_ = 	snop  }
__scs_overlays_trampoline_lowered:
0x8: {  	[smem:$0x3FA0] =	sst s0  }
0x9: {  	[smem:$0x3FA1] =	sst s1  }
0xa: {  	[smem:$0x3FA2] =	sst s2  }
0xb: {  	[smem:$0x3FA3] =	sst s3  }
0xc: {  	[smem:$0x3FA4] =	sst s4  }
0xd: {  	[smem:$0x3FA5] =	sst s5  }
0xe: {  	[smem:$0x3FA6] =	sst s6  }
0xf: {  	[smem:$0x3FA7] =	sst s7  }
0x10: {  	[smem:$0x3FA8] =	sst s8  }
0x11: {  	[smem:$0x3FA9] =	sst s9;
	s0 =	simm.s32 @!p0 $0x0  }
0x12: {  	s1 =	sld [smem:$0x3F8F];
	s0 =	simm.s32 @p0 $0x1  }
0x13: {  	[smem:$0x3FAA] =	sst s0;
	s0 =	simm.s32 @!p1 $0x0  }
0x14: {  	s2 =	sld [smem:$0x3F8E];
	s0 =	simm.s32 @p1 $0x1  }
0x15: {  	[smem:$0x3FAB] =	sst s0;
	s0 =	simm.s32 @!p2 $0x0  }
0x16: {  	s3 =	sld [smem:$0x3FDB];
	s0 =	simm.s32 @p2 $0x1  }
0x17: {  	s4 =	simm.s32 $0x1BF5;
	[smem:$0x3FAD] =	sst s0  }
0x18: {  	s0 =	sld [smem:$0x3F90];
	_ =	swait.ge [sflag:s4], $0x0  }
0x19: {  	s7 =	sld [smem:$0x3F91]  }
0x1a: {  	s8 =	sadd.s32 $0xFFFFE003, lr  }
0x1b: {  	s9 =	sadd.s32 $0xFFFFFEF7, lr;
	s5 =	simm.s32 $0xFFFFFFFF;
	p2 =	slt.u32 s8, $0xFFFFF086  }
0x1c: {  	p1 =	slt.u32 s9, $0xF7A;
	s5 =	simm.s32 @!p2 $0x0  }
0x1d: {  	s5 =	simm.s32 @p1 $0x1;
	p0 =	seq.s32 s7, s2  }
0x1e: {  	s7 =	smul.u32 @!p0 $0xF7A, s2;
	p2 =	seq.s32 @!p0 s5, $0x0  }
0x1f: {  	s9 =	smul.u32 $0xF7A, s1;
	s8 =	simm.s32 @!p0 $0x1BF5;
	p2 =	por !p2, p0  }
0x20: {  	[sflag:s8] =	ssyncset.s32 @!p0 $0xFFFFF086;
	s6 =	sadd.s32 @!p0 s3, s7;
	s7 =	simm.s32 @!p0 $0x108  }
0x21: {  	s3 =	sadd.s32 s3, s9;
	s6 =	sadd.s32 @!p0 $0x88, s6;
	s7 =	simm.s32 @p2 $0x1082  }
0x22: {  	[simem:s7], [sflag:s8] =	dma.local @!p0 [hbm:s6], $0xF7A  }
0x23: {  	s9 =	sor.u32 $0xD0000000, s2;
	s6 =	simm.s32 $0x108;
	_ =	swait.ge @!p0 [sflag:s8], $0x0  }
0x24: {  	s3 =	sadd.s32 $0x88, s3;
	s6 =	simm.s32 @!p1 $0x1082;
	[sflag:s4] =	ssyncset.s32 $0xFFFFF086  }
0x25: {  	[simem:s6], [sflag:s4] =	dma.local [hbm:s3], $0xF7A  }
0x26: {  	[smem:$0x3F91] =	sst s1;
	(tag) =	ssettag s2;
	_ =	strace s9  }
0x27: {  	s1 =	sld [smem:$0x3FA1]  }
0x28: {  	s2 =	sld [smem:$0x3FA2]  }
0x29: {  	s4 =	sld [smem:$0x3FA4]  }
0x2a: {  	p0 =	seq.s32 s5, $0x0;
	s5 =	sld [smem:$0x3FA5]  }
0x2b: {  	s6 =	sld [smem:$0x3FA6]  }
0x2c: {  	s7 =	sld [smem:$0x3FA7]  }
0x2d: {  	s3 =	simm.s32 $0x108;
	s8 =	sld [smem:$0x3FA8]  }
0x2e: {  	s3 =	simm.s32 @!p0 $0x1082;
	s9 =	sld [smem:$0x3FA9]  }
0x2f: {  	lr =	sadd.s32 s0, s3;
	s0 =	sld [smem:$0x3FA0]  }
0x30: {  	s3 =	sld [smem:$0x3FA3]  }
0x31: {  	[smem:$0x3FAC] =	sst s10  }
0x32: {  	s10 =	sld [smem:$0x3FAA];
	_ =	sdelay $0x3  }
0x33: {  	p0 =	seq.s32 s10, $0x1;
	s10 =	sld [smem:$0x3FAC];
	_ =	sdelay $0x3  }
0x34: {  	[smem:$0x3FAC] =	sst s10  }
0x35: {  	s10 =	sld [smem:$0x3FAB];
	_ =	sdelay $0x3  }
0x36: {  	p1 =	seq.s32 s10, $0x1;
	s10 =	sld [smem:$0x3FAC];
	_ =	sdelay $0x3  }
0x37: {  	[smem:$0x3FAC] =	sst s10  }
0x38: {  	s10 =	sld [smem:$0x3FAD]  }
0x39: {  	_ = 	snop;
	(pc) =	sbr.ind lr, $3  }
0x3a: {  	_ = 	snop  }
0x3b: {  	_ = 	snop  }
0x3c: {  	p2 =	seq.s32 s10, $0x1;
	s10 =	sld [smem:$0x3FAC]  }
0x3d: {  	_ =	shalt  }
0x3e: {  	_ =	shalt  }
0x3f: {  	_ =	shalt  }
0x40: {  	_ =	shalt  }
0x41: {  	_ =	shalt  }
0x42: {  	_ =	shalt  }
0x43: {  	_ =	shalt  }
0x44: {  	_ =	shalt  }
0x45: {  	_ =	shalt  }
0x46: {  	_ =	shalt  }
0x47: {  	_ =	shalt  }
0x48: {  	_ =	shalt  }
0x49: {  	_ =	shalt  }
0x4a: {  	_ =	shalt  }
0x4b: {  	_ =	shalt  }
0x4c: {  	_ =	shalt  }
0x4d: {  	_ =	shalt  }
0x4e: {  	_ =	shalt  }
0x4f: {  	_ =	shalt  }
0x50: {  	_ =	shalt  }
0x51: {  	_ =	shalt  }
0x52: {  	_ =	shalt  }
0x53: {  	_ =	shalt  }
0x54: {  	_ =	shalt  }
0x55: {  	_ =	shalt  }
0x56: {  	_ =	shalt  }
0x57: {  	_ =	shalt  }
0x58: {  	_ =	shalt  }
0x59: {  	_ =	shalt  }
0x5a: {  	_ =	shalt  }
0x5b: {  	_ =	shalt  }
0x5c: {  	_ =	shalt  }
0x5d: {  	_ =	shalt  }
0x5e: {  	_ =	shalt  }
0x5f: {  	_ =	shalt  }
0x60: {  	_ =	shalt  }
0x61: {  	_ =	shalt  }
0x62: {  	_ =	shalt  }
0x63: {  	_ =	shalt  }
0x64: {  	_ =	shalt  }
0x65: {  	_ =	shalt  }
0x66: {  	_ =	shalt  }
0x67: {  	_ =	shalt  }
0x68: {  	_ =	shalt  }
0x69: {  	_ =	shalt  }
0x6a: {  	_ =	shalt  }
0x6b: {  	_ =	shalt  }
0x6c: {  	_ =	shalt  }
0x6d: {  	_ =	shalt  }
0x6e: {  	_ =	shalt  }
0x6f: {  	_ =	shalt  }
0x70: {  	_ =	shalt  }
0x71: {  	_ =	shalt  }
0x72: {  	_ =	shalt  }
0x73: {  	_ =	shalt  }
0x74: {  	_ =	shalt  }
0x75: {  	_ =	shalt  }
0x76: {  	_ =	shalt  }
0x77: {  	_ =	shalt  }
0x78: {  	_ =	shalt  }
0x79: {  	_ =	shalt  }
0x7a: {  	_ =	shalt  }
0x7b: {  	_ =	shalt  }
0x7c: {  	_ =	shalt  }
0x7d: {  	_ =	shalt  }
0x7e: {  	_ =	shalt  }
0x7f: {  	_ =	shalt  }
0x80: {  	_ =	shalt  }
0x81: {  	_ =	shalt  }
0x82: {  	_ =	shalt  }
0x83: {  	_ =	shalt  }
0x84: {  	_ =	shalt  }
0x85: {  	_ =	shalt  }
0x86: {  	_ =	shalt  }
0x87: {  	_ =	shalt  }
.Lfunc_end0:
.L_simem_size_0:
called_computation_lowered:
.L_overlay_start_0:
0x88: {  	s2 =	sld [smem:$0x3FD9]  }
0x89: {  	s3 =	sld [smem:$0x3FFE];
	_ =	sdelay $0x1  }
0x8a: {  	s1 =	srdreg.scid  }
0x8b: {  	s0 =	sand.u32 $0x1, s1  }
0x8c: {  	s16 =	sshll.u32 s0, $0xA;
	s2 =	sadd.s32 s3, s2  }
0x8d: {  	s2 =	sadd.s32 s2, s16  }
0x8e: {  	[smem:$0x3FB8] =	sst s2  }
0x8f: {  	_ = 	snop  }
0x90: {  	(tm) =	ssettm $0x1  }
0x91: {  	s17 =	sld [smem:$0x3FFB];
	_ =	sdelay $0x3  }
0x92: {  	_ =	strace s17  }
0x93: {  	s2 =	sld [smem:$0x3FFC];
	_ =	sdelay $0x3  }
0x94: {  	_ =	strace s2  }
0x95: {  	s2 =	sld [smem:$0x3FFD];
	_ =	sdelay $0x3  }
0x96: {  	_ =	strace s2  }
0x97: {  	_ =	strace $0x8FFFFFFF  }
0x98: {  	s18 =	sld [smem:$0x3FDB];
	_ =	sdelay $0x1  }
0x99: {  	s19 =	simm.s32 $_scs_section_size  }
0x9a: {  	s4 =	simm.s32 $_size__tile_overlayer_lowered;
	s5 =	simm.s32 $_tile_overlayer_lowered  }
0x9b: {  	s22 =	simm.s32 $0x1BFF;
	s21 =	sshll.u32 s5, $0x1;
	s2 =	sadd.s32 s19, s18  }
0x9c: {  	s6 =	simm.s32 $0x0;
	s20 =	sshll.u32 s4, $0x1;
	s4 =	sadd.s32 s21, s2  }
0x9d: {  	[timem:s6], [sflag:s22] =	dma.local [hbm:s4], s20  }
0x9e: {  	_ =	swait.ge [sflag:s22], s20  }
0x9f: {  	s3 =	ssub.s32 $0x0, s20;
	[sflag:s22] =	ssyncset.done $0x0  }
0xa0: {  	[sflag:s22] =	ssyncadd.s32 s3;
	_ =	sdelay $0x1  }
0xa1: {  	s23 =	simm.s32 $0x1B8B  }
0xa2: {  	_ =	swait.ge [sflag:s23], $0x1  }
0xa3: {  	[sflag:s23] =	ssyncset.done $0x0  }
0xa4: {  	s25 =	simm.s32 $0x1B8E;
	s24 =	sld [smem:$0x3FFE];
	[sflag:s23] =	ssyncadd.s32 $0xFFFFFFFF  }
0xa5: {  	s26 =	simm.s32 $execute0_lowered;
	[smem:$0x3FD2] =	sst s25  }
0xa6: {  	s4 =	sshll.u32 s26, $0x1;
	_ =	strace $0x80000046;
	[dreg:$0x1] =	wrdreg $0xFFFFFFFF  }
0xa7: {  	s28 =	simm.s32 $_size_execute0_lowered;
	s2 =	sadd.s32 s2, s4;
	[dreg:$0x0] =	wrdreg $0x0  }
0xa8: {  	s4 =	sshll.u32 s28, $0x1;
	[dreg:$0x2] =	wrdreg s2  }
0xa9: {  	[dreg:$0x3] =	wrdreg s4  }
0xaa: {  	[dreg:$0x4] =	wrdreg $0xC0  }
0xab: {  	_ =	task [dreg:s6], $0x5FFFF  }
0xac: {  	[dreg:$0x1] =	wrdreg $0xFFFFFFFF  }
0xad: {  	[dreg:$0x0] =	wrdreg $0x60  }
0xae: {  	[dreg:$0x2] =	wrdreg s24  }
0xaf: {  	[dreg:$0x3] =	wrdreg $0x9  }
0xb0: {  	_ =	task.clear_ibuf [dreg:s6], $0x4FFFF;
	_ =	strace $0x90000046  }
0xb1: {  	s29 =	simm.s32 $0x9;
	_ =	strace $0x80000048  }
0xb2: {  	_ =	swait.ge [sflag:s29], $0x1  }
0xb3: {  	[sflag:s29] =	ssyncadd.s32 $0xFFFFFFFF  }
0xb4: {  	_ =	strace $0x90000048  }
0xb5: {  	_ =	sfence  }
0xb6: {  	s30 =	sld [smem:$0x0];
	_ =	sdelay $0x2  }
0xb7: {  	s31 =	sshll.u32 s1, $0xD;
	s1 =	sshrl.u32 s1, $0x2  }
0xb8: {  	s3 =	sand.u32 $0x4000, s31;
	s1 =	sadd.s32 s1, s30  }
0xb9: {  	s0 =	sor.u32 s3, s0;
	s1 =	sshll.u32 s1, $0x11  }
0xba: {  	s0 =	sor.u32 s1, s0  }
0xbb: {  	s0 =	sadd.s32 $0x8F2B, s0  }
0xbc: {  	[sflag:s0] =	ssyncadd.remote.s32 $0x1  }
0xbd: {  	_ =	sfence.sel $0xFFFF  }
0xbe: {  	[dreg:$0x0] =	wrdreg $0xFFFFFFFF;
	(pc) =	sbr.abs _section_cstart, $3  }
0xbf: {  	[dreg:$0x1] =	wrdreg $0xFFFFFFFF  }
0xc0: {  	_ =	task.clear_ibuf [dreg:s6], $0x2FFFF;
	_ =	strace $0x9FFFFFFF  }
0xc1: {  	(tm) =	ssettm $0x7FFFFFFF  }
tec
execute0_lowered:
.L_overlay_start_1:
0x0: {  	(tag) =	ssettag $0x1  }
0x1: {  	s4 =	rddreg [dreg:$0x0]  }
0x2: {  	s0 =	rddreg [dreg:$0x1]  }
0x3: {  	s3 =	srdreg.scid;
	s1 =	stileid.u32;
	s2 =	simm.s32 $0x0  }
0x4: {  	s10 =	simm.s32 $0x1388;
	s11 =	simm.s32 $0x2710;
	s12 =	simm.s32 $0xC350  }
0x5: {  	s13 =	simm.s32 $0x1;
	s3 =	sand.u32 $0x1, s3;
	s5 =	smul.u32 $0x186A0, s1  }
0x6: {  	s14 =	simm.s32 $0x2;
	s15 =	simm.s32 $0x0;
	s6 =	smul.u32 $0xC350, s3  }
0x7: {  	[smem:$0x7FF] =	sst s2;
	s9 =	sadd.s32 $0x4000, s4;
	s7 =	ssub.s32 $0x2, s3  }
0x8: {  	_ =	strace $0x80000047;
	s29 =	sshrl.u32 s7, $0x1;
	s8 =	sadd.s32 s6, s5  }
0x9: {  	s3 =	sadd.s32 $0x65C00, s4;
	s30 =	ssub.s32 s7, s29;
	s6 =	sadd.s32 s8, s4  }
0xa: {  	s4 =	smax.u32 s30, $0x1;
	s31 =	sadd.s32 $0x186A00, s8;
	s8 =	sshrl.u32 s8, $0x3  }
0xb: {  	s5 =	sadd.s32 $0x204E00, s6;
	s6 =	sadd.s32 $0x7E400, s6;
	s7 =	sshrl.u32 s31, $0x3  }
0xc: {  	s8 =	sadd.s32 s8, s9;
	s7 =	sadd.s32 s7, s9;
	s9 =	simm.s32 $0x3  }
.LBB2_1:
0xd: {  	s16 =	sadd.s32 $0x0, s7  }
0xe: {  	[tilespmem:s2], [sflag:$0x3] =	stream.linear.gather [hbm4b:s16+s2], $0x1388, $0x38;
	[tilespmem:$0x15F90] =	vst v63  }
0xf: {  	_ =	swait.ge [sflag:s9], $0x1388  }
0x10: {  	[sflag:s9] =	ssyncset.done $0x0  }
0x11: {  	s31 =	sadd.s32 $0x0, s8;
	[sflag:s9] =	ssyncadd.s32 $0xFFFFEC78  }
0x12: {  	[tilespmem:s10], [sflag:$0x3] =	stream.linear.gather [hbm4b:s31+s2], $0x1388, $0x38;
	[tilespmem:$0x15F90] =	vst v63  }
0x13: {  	_ =	swait.ge [sflag:s9], $0x1388  }
0x14: {  	[sflag:s9] =	ssyncset.done $0x0  }
0x15: {  	[sflag:s9] =	ssyncadd.s32 $0xFFFFEC78  }
0x16: {  	[tilespmem:s11], [sflag:$0x1] =	stream.indirect.gather [hbm4b:s3+s10], $0x8, s2, s10, $0xb8;
	[tilespmem:$0x15F90] =	vst v63  }
0x17: {  	_ = 	snop  }
0x18: {  	[tilespmem:s12], [sflag:$0x2] =	stream.indirect.gather [hbm4b:s3+s10], $0x8, s10, s10, $0xb8;
	[tilespmem:$0x15F90] =	vst v63  }
0x19: {  	_ =	swait.ge [sflag:s13], $0x9C40  }
0x1a: {  	[sflag:s13] =	ssyncset.done $0x0  }
0x1b: {  	[sflag:s13] =	ssyncadd.s32 $0xFFFF63C0  }
0x1c: {  	_ =	swait.ge [sflag:s14], $0x9C40  }
0x1d: {  	[sflag:s14] =	ssyncset.done $0x0  }
0x1e: {  	[sflag:s14] =	ssyncadd.s32 $0xFFFF63C0  }
0x1f: {  	[hbm4b:s6+s2] =	stream.linear.scatter [tilespmem:s11], [sflag:$0x3], $0x9C40, $0x38;
	[tilespmem:$0x15F90] =	vst v63  }
0x20: {  	_ =	swait.ge [sflag:s9], $0x9C40  }
0x21: {  	[sflag:s9] =	ssyncset.done $0x0  }
0x22: {  	[sflag:s9] =	ssyncadd.s32 $0xFFFF63C0  }
0x23: {  	[hbm4b:s5+s2] =	stream.linear.scatter [tilespmem:s12], [sflag:$0x3], $0x9C40, $0x38;
	[tilespmem:$0x15F90] =	vst v63  }
0x24: {  	s18 =	simm.s32 $0x271;
	s19 =	simm.s32 $0x4E2;
	_ =	swait.ge [sflag:s9], $0x9C40  }
0x25: {  	s17 =	sadd.s32 $0x1388, s6;
	s16 =	sadd.s32 $0x1388, s5;
	[sflag:s9] =	ssyncset.done $0x0  }
.LBB2_2:
0x26: {  	s20 =	sadd.s32 s18, s7  }
0x27: {  	[sflag:s9] =	ssyncadd.s32 $0xFFFF63C0;
	s21 =	smov.u32 s19;
	s22 =	sadd.s32 $0x271, s19  }
0x28: {  	[tilespmem:s2], [sflag:$0x3] =	stream.linear.gather [hbm4b:s20+s2], $0x1388, $0x38;
	[tilespmem:$0x15F90] =	vst v63  }
0x29: {  	p0 =	sne.s32 s19, $0x15F9;
	_ =	swait.ge [sflag:s9], $0x1388  }
0x2a: {  	[sflag:s9] =	ssyncset.done $0x0  }
0x2b: {  	s19 =	sadd.s32 s18, s8;
	s18 =	smov.u32 s21;
	[sflag:s9] =	ssyncadd.s32 $0xFFFFEC78  }
0x2c: {  	[tilespmem:s10], [sflag:$0x3] =	stream.linear.gather [hbm4b:s19+s2], $0x1388, $0x38;
	[tilespmem:$0x15F90] =	vst v63  }
0x2d: {  	_ =	swait.ge [sflag:s9], $0x1388  }
0x2e: {  	[sflag:s9] =	ssyncset.done $0x0  }
0x2f: {  	[sflag:s9] =	ssyncadd.s32 $0xFFFFEC78  }
0x30: {  	[tilespmem:s11], [sflag:$0x1] =	stream.indirect.gather [hbm4b:s3+s10], $0x8, s2, s10, $0xb8;
	[tilespmem:$0x15F90] =	vst v63  }
0x31: {  	_ = 	snop  }
0x32: {  	[tilespmem:s12], [sflag:$0x2] =	stream.indirect.gather [hbm4b:s3+s10], $0x8, s10, s10, $0xb8;
	[tilespmem:$0x15F90] =	vst v63  }
0x33: {  	_ =	swait.ge [sflag:s13], $0x9C40  }
0x34: {  	[sflag:s13] =	ssyncset.done $0x0  }
0x35: {  	[sflag:s13] =	ssyncadd.s32 $0xFFFF63C0  }
0x36: {  	_ =	swait.ge [sflag:s14], $0x9C40  }
0x37: {  	[sflag:s14] =	ssyncset.done $0x0  }
0x38: {  	[sflag:s14] =	ssyncadd.s32 $0xFFFF63C0  }
0x39: {  	[hbm4b:s17+s2] =	stream.linear.scatter [tilespmem:s11], [sflag:$0x3], $0x9C40, $0x38;
	[tilespmem:$0x15F90] =	vst v63  }
0x3a: {  	_ =	swait.ge [sflag:s9], $0x9C40  }
.Ltmp0:
0x3b: {  	[sflag:s9] =	ssyncset.done $0x0;
	(pc) =	sbr.rel @p0 .LBB2_2-.Ltmp0, $4  }
0x3c: {  	[sflag:s9] =	ssyncadd.s32 $0xFFFF63C0  }
0x3d: {  	[hbm4b:s16+s2] =	stream.linear.scatter [tilespmem:s12], [sflag:$0x3], $0x9C40, $0x38;
	[tilespmem:$0x15F90] =	vst v63  }
0x3e: {  	s19 =	smov.u32 s22;
	_ =	swait.ge [sflag:s9], $0x9C40  }
0x3f: {  	s17 =	sadd.s32 $0x1388, s17;
	s16 =	sadd.s32 $0x1388, s16;
	[sflag:s9] =	ssyncset.done $0x0  }
0x40: {  	s19 =	sadd.s32 s18, s7;
	[sflag:s9] =	ssyncadd.s32 $0xFFFF63C0  }
0x41: {  	[tilespmem:s2], [sflag:$0x3] =	stream.linear.gather [hbm4b:s19+s2], $0x1388, $0x38;
	[tilespmem:$0x15F90] =	vst v63  }
0x42: {  	_ =	swait.ge [sflag:s9], $0x1388  }
0x43: {  	[sflag:s9] =	ssyncset.done $0x0  }
0x44: {  	s31 =	sadd.s32 s18, s8;
	[sflag:s9] =	ssyncadd.s32 $0xFFFFEC78  }
0x45: {  	[tilespmem:s10], [sflag:$0x3] =	stream.linear.gather [hbm4b:s31+s2], $0x1388, $0x38;
	[tilespmem:$0x15F90] =	vst v63  }
0x46: {  	_ =	swait.ge [sflag:s9], $0x1388  }
0x47: {  	[sflag:s9] =	ssyncset.done $0x0  }
0x48: {  	[sflag:s9] =	ssyncadd.s32 $0xFFFFEC78  }
0x49: {  	[tilespmem:s11], [sflag:$0x1] =	stream.indirect.gather [hbm4b:s3+s10], $0x8, s2, s10, $0xb8;
	[tilespmem:$0x15F90] =	vst v63  }
0x4a: {  	_ = 	snop  }
0x4b: {  	[tilespmem:s12], [sflag:$0x2] =	stream.indirect.gather [hbm4b:s3+s10], $0x8, s10, s10, $0xb8;
	[tilespmem:$0x15F90] =	vst v63  }
0x4c: {  	_ =	swait.ge [sflag:s13], $0x9C40  }
0x4d: {  	[sflag:s13] =	ssyncset.done $0x0  }
0x4e: {  	[sflag:s13] =	ssyncadd.s32 $0xFFFF63C0  }
0x4f: {  	_ =	swait.ge [sflag:s14], $0x9C40  }
0x50: {  	[sflag:s14] =	ssyncset.done $0x0  }
0x51: {  	[sflag:s14] =	ssyncadd.s32 $0xFFFF63C0  }
0x52: {  	[hbm4b:s17+s2] =	stream.linear.scatter [tilespmem:s11], [sflag:$0x3], $0x9C40, $0x38;
	[tilespmem:$0x15F90] =	vst v63  }
0x53: {  	s15 =	sadd.s32 $0x1, s15;
	_ =	swait.ge [sflag:s9], $0x9C40  }
0x54: {  	p0 =	sne.s32 s15, s4;
	[sflag:s9] =	ssyncset.done $0x0  }
.Ltmp1:
0x55: {  	[sflag:s9] =	ssyncadd.s32 $0xFFFF63C0;
	(pc) =	sbr.rel @p0 .LBB2_1-.Ltmp1, $4  }
0x56: {  	[hbm4b:s16+s2] =	stream.linear.scatter [tilespmem:s12], [sflag:$0x3], $0x9C40, $0x38;
	[tilespmem:$0x15F90] =	vst v63  }
0x57: {  	_ =	swait.ge [sflag:s9], $0x9C40  }
0x58: {  	[sflag:s9] =	ssyncset.done $0x0  }
0x59: {  	[sflag:s9] =	ssyncadd.s32 $0xFFFF63C0  }
0x5a: {  	_ =	sfence.sel $0x180000  }
0x5b: {  	[bflag:$0x0] =	sbarrier.arrive $0xFFFF  }
0x5c: {  	p0 =	sne.s32 s1, $0x0;
	_ =	strace $0x90000047  }
0x5d: {  	s0 =	sadd.s32 @!p0 $0x100000, s0;
	[bflag:$0x2] =	sbarrier.arrive $0xFFFF  }
0x5e: {  	[sflag:s0] =	ssyncadd.tile.s32 @!p0 $0x1;
	_ =	shalt  }
.Lfunc_end2:
_tile_overlayer_lowered:
.L_overlay_start_2:
0x5f: {  	(tag) =	ssettag $0x2  }
0x60: {  	s0 =	rddreg [dreg:$0x0];
	s2 =	stileid.u32  }
0x61: {  	s1 =	rddreg [dreg:$0x1];
	p0 =	sne.s32 s2, $0x0  }
0x62: {  	s3 =	rddreg [dreg:$0x2];
	[bflag:$0x3] =	sbarrier.arrive $0xFFFF;
	s2 =	simm.s32 @!p0 $0x1C03  }
0x63: {  	[timem:s3], [sflag:s2] =	dma.local @!p0 [hbm:s0], s1  }
0x64: {  	s0 =	simm.s32 @!p0 $0x3  }
0x65: {  	_ =	swait.ge @!p0 [sflag:s0], s1  }
0x66: {  	s1 =	ssub.s32 @!p0 $0x0, s1;
	[sflag:s0] =	ssyncset.done @!p0 $0x0  }
0x67: {  	[sflag:s0] =	ssyncadd.s32 @!p0 s1  }
0x68: {  	[bflag:$0x3] =	sbarrier.arrive $0xFFFF  }
0x69: {  	_ =	shalt  }

// kernel: kernel.14.cloned.1.call-start
scs
__scs_entry_jumppad:
0x0: {  	(pc) =	sbr.rel $0x88, $3  }
0x1: {  	(tag) =	ssettag $0x0;
	lr =	simm.s32 $0x1  }
0x2: {  	[smem:$0x3F91] =	sst lr;
	_ =	strace $0xD0000000  }
0x3: {  	_ = 	snop  }
0x4: {  	_ = 	snop  }
0x5: {  	_ = 	snop  }
0x6: {  	_ = 	snop  }
0x7: {  	_ = 	snop  }
__scs_overlays_trampoline_lowered:
0x8: {  	[smem:$0x3FA0] =	sst s0  }
0x9: {  	[smem:$0x3FA1] =	sst s1  }
0xa: {  	[smem:$0x3FA2] =	sst s2  }
0xb: {  	[smem:$0x3FA3] =	sst s3  }
0xc: {  	[smem:$0x3FA4] =	sst s4  }
0xd: {  	[smem:$0x3FA5] =	sst s5  }
0xe: {  	[smem:$0x3FA6] =	sst s6  }
0xf: {  	[smem:$0x3FA7] =	sst s7  }
0x10: {  	[smem:$0x3FA8] =	sst s8  }
0x11: {  	[smem:$0x3FA9] =	sst s9;
	s0 =	simm.s32 @!p0 $0x0  }
0x12: {  	s1 =	sld [smem:$0x3F8F];
	s0 =	simm.s32 @p0 $0x1  }
0x13: {  	[smem:$0x3FAA] =	sst s0;
	s0 =	simm.s32 @!p1 $0x0  }
0x14: {  	s2 =	sld [smem:$0x3F8E];
	s0 =	simm.s32 @p1 $0x1  }
0x15: {  	[smem:$0x3FAB] =	sst s0;
	s0 =	simm.s32 @!p2 $0x0  }
0x16: {  	s3 =	sld [smem:$0x3FDB];
	s0 =	simm.s32 @p2 $0x1  }
0x17: {  	s4 =	simm.s32 $0x1BF5;
	[smem:$0x3FAD] =	sst s0  }
0x18: {  	s0 =	sld [smem:$0x3F90];
	_ =	swait.ge [sflag:s4], $0x0  }
0x19: {  	s7 =	sld [smem:$0x3F91]  }
0x1a: {  	s8 =	sadd.s32 $0xFFFFE003, lr  }
0x1b: {  	s9 =	sadd.s32 $0xFFFFFEF7, lr;
	s5 =	simm.s32 $0xFFFFFFFF;
	p2 =	slt.u32 s8, $0xFFFFF086  }
0x1c: {  	p1 =	slt.u32 s9, $0xF7A;
	s5 =	simm.s32 @!p2 $0x0  }
0x1d: {  	s5 =	simm.s32 @p1 $0x1;
	p0 =	seq.s32 s7, s2  }
0x1e: {  	s7 =	smul.u32 @!p0 $0xF7A, s2;
	p2 =	seq.s32 @!p0 s5, $0x0  }
0x1f: {  	s9 =	smul.u32 $0xF7A, s1;
	s8 =	simm.s32 @!p0 $0x1BF5;
	p2 =	por !p2, p0  }
0x20: {  	[sflag:s8] =	ssyncset.s32 @!p0 $0xFFFFF086;
	s6 =	sadd.s32 @!p0 s3, s7;
	s7 =	simm.s32 @!p0 $0x108  }
0x21: {  	s3 =	sadd.s32 s3, s9;
	s6 =	sadd.s32 @!p0 $0x88, s6;
	s7 =	simm.s32 @p2 $0x1082  }
0x22: {  	[simem:s7], [sflag:s8] =	dma.local @!p0 [hbm:s6], $0xF7A  }
0x23: {  	s9 =	sor.u32 $0xD0000000, s2;
	s6 =	simm.s32 $0x108;
	_ =	swait.ge @!p0 [sflag:s8], $0x0  }
0x24: {  	s3 =	sadd.s32 $0x88, s3;
	s6 =	simm.s32 @!p1 $0x1082;
	[sflag:s4] =	ssyncset.s32 $0xFFFFF086  }
0x25: {  	[simem:s6], [sflag:s4] =	dma.local [hbm:s3], $0xF7A  }
0x26: {  	[smem:$0x3F91] =	sst s1;
	(tag) =	ssettag s2;
	_ =	strace s9  }
0x27: {  	s1 =	sld [smem:$0x3FA1]  }
0x28: {  	s2 =	sld [smem:$0x3FA2]  }
0x29: {  	s4 =	sld [smem:$0x3FA4]  }
0x2a: {  	p0 =	seq.s32 s5, $0x0;
	s5 =	sld [smem:$0x3FA5]  }
0x2b: {  	s6 =	sld [smem:$0x3FA6]  }
0x2c: {  	s7 =	sld [smem:$0x3FA7]  }
0x2d: {  	s3 =	simm.s32 $0x108;
	s8 =	sld [smem:$0x3FA8]  }
0x2e: {  	s3 =	simm.s32 @!p0 $0x1082;
	s9 =	sld [smem:$0x3FA9]  }
0x2f: {  	lr =	sadd.s32 s0, s3;
	s0 =	sld [smem:$0x3FA0]  }
0x30: {  	s3 =	sld [smem:$0x3FA3]  }
0x31: {  	[smem:$0x3FAC] =	sst s10  }
0x32: {  	s10 =	sld [smem:$0x3FAA];
	_ =	sdelay $0x3  }
0x33: {  	p0 =	seq.s32 s10, $0x1;
	s10 =	sld [smem:$0x3FAC];
	_ =	sdelay $0x3  }
0x34: {  	[smem:$0x3FAC] =	sst s10  }
0x35: {  	s10 =	sld [smem:$0x3FAB];
	_ =	sdelay $0x3  }
0x36: {  	p1 =	seq.s32 s10, $0x1;
	s10 =	sld [smem:$0x3FAC];
	_ =	sdelay $0x3  }
0x37: {  	[smem:$0x3FAC] =	sst s10  }
0x38: {  	s10 =	sld [smem:$0x3FAD]  }
0x39: {  	_ = 	snop;
	(pc) =	sbr.ind lr, $3  }
0x3a: {  	_ = 	snop  }
0x3b: {  	_ = 	snop  }
0x3c: {  	p2 =	seq.s32 s10, $0x1;
	s10 =	sld [smem:$0x3FAC]  }
0x3d: {  	_ =	shalt  }
0x3e: {  	_ =	shalt  }
0x3f: {  	_ =	shalt  }
0x40: {  	_ =	shalt  }
0x41: {  	_ =	shalt  }
0x42: {  	_ =	shalt  }
0x43: {  	_ =	shalt  }
0x44: {  	_ =	shalt  }
0x45: {  	_ =	shalt  }
0x46: {  	_ =	shalt  }
0x47: {  	_ =	shalt  }
0x48: {  	_ =	shalt  }
0x49: {  	_ =	shalt  }
0x4a: {  	_ =	shalt  }
0x4b: {  	_ =	shalt  }
0x4c: {  	_ =	shalt  }
0x4d: {  	_ =	shalt  }
0x4e: {  	_ =	shalt  }
0x4f: {  	_ =	shalt  }
0x50: {  	_ =	shalt  }
0x51: {  	_ =	shalt  }
0x52: {  	_ =	shalt  }
0x53: {  	_ =	shalt  }
0x54: {  	_ =	shalt  }
0x55: {  	_ =	shalt  }
0x56: {  	_ =	shalt  }
0x57: {  	_ =	shalt  }
0x58: {  	_ =	shalt  }
0x59: {  	_ =	shalt  }
0x5a: {  	_ =	shalt  }
0x5b: {  	_ =	shalt  }
0x5c: {  	_ =	shalt  }
0x5d: {  	_ =	shalt  }
0x5e: {  	_ =	shalt  }
0x5f: {  	_ =	shalt  }
0x60: {  	_ =	shalt  }
0x61: {  	_ =	shalt  }
0x62: {  	_ =	shalt  }
0x63: {  	_ =	shalt  }
0x64: {  	_ =	shalt  }
0x65: {  	_ =	shalt  }
0x66: {  	_ =	shalt  }
0x67: {  	_ =	shalt  }
0x68: {  	_ =	shalt  }
0x69: {  	_ =	shalt  }
0x6a: {  	_ =	shalt  }
0x6b: {  	_ =	shalt  }
0x6c: {  	_ =	shalt  }
0x6d: {  	_ =	shalt  }
0x6e: {  	_ =	shalt  }
0x6f: {  	_ =	shalt  }
0x70: {  	_ =	shalt  }
0x71: {  	_ =	shalt  }
0x72: {  	_ =	shalt  }
0x73: {  	_ =	shalt  }
0x74: {  	_ =	shalt  }
0x75: {  	_ =	shalt  }
0x76: {  	_ =	shalt  }
0x77: {  	_ =	shalt  }
0x78: {  	_ =	shalt  }
0x79: {  	_ =	shalt  }
0x7a: {  	_ =	shalt  }
0x7b: {  	_ =	shalt  }
0x7c: {  	_ =	shalt  }
0x7d: {  	_ =	shalt  }
0x7e: {  	_ =	shalt  }
0x7f: {  	_ =	shalt  }
0x80: {  	_ =	shalt  }
0x81: {  	_ =	shalt  }
0x82: {  	_ =	shalt  }
0x83: {  	_ =	shalt  }
0x84: {  	_ =	shalt  }
0x85: {  	_ =	shalt  }
0x86: {  	_ =	shalt  }
0x87: {  	_ =	shalt  }
.Lfunc_end0:
.L_simem_size_0:
called_computation.1_lowered:
.L_overlay_start_0:
0x88: {  	s2 =	sld [smem:$0x3FD9]  }
0x89: {  	s3 =	sld [smem:$0x3FFE];
	_ =	sdelay $0x1  }
0x8a: {  	s1 =	srdreg.scid  }
0x8b: {  	s0 =	sand.u32 $0x1, s1  }
0x8c: {  	s16 =	sshll.u32 s0, $0xA;
	s2 =	sadd.s32 s3, s2  }
0x8d: {  	s2 =	sadd.s32 s2, s16  }
0x8e: {  	[smem:$0x3FB8] =	sst s2  }
0x8f: {  	_ = 	snop  }
0x90: {  	(tm) =	ssettm $0x1  }
0x91: {  	s17 =	sld [smem:$0x3FFB];
	_ =	sdelay $0x3  }
0x92: {  	_ =	strace s17  }
0x93: {  	s2 =	sld [smem:$0x3FFC];
	_ =	sdelay $0x3  }
0x94: {  	_ =	strace s2  }
0x95: {  	s2 =	sld [smem:$0x3FFD];
	_ =	sdelay $0x3  }
0x96: {  	_ =	strace s2  }
0x97: {  	_ =	strace $0x8FFFFFFF  }
0x98: {  	s18 =	sld [smem:$0x3FDB];
	_ =	sdelay $0x1  }
0x99: {  	s19 =	simm.s32 $_scs_section_size  }
0x9a: {  	s4 =	simm.s32 $_size__tile_overlayer_lowered;
	s5 =	simm.s32 $_tile_overlayer_lowered  }
0x9b: {  	s22 =	simm.s32 $0x1BFF;
	s21 =	sshll.u32 s5, $0x1;
	s2 =	sadd.s32 s19, s18  }
0x9c: {  	s6 =	simm.s32 $0x0;
	s20 =	sshll.u32 s4, $0x1;
	s4 =	sadd.s32 s21, s2  }
0x9d: {  	[timem:s6], [sflag:s22] =	dma.local [hbm:s4], s20  }
0x9e: {  	_ =	swait.ge [sflag:s22], s20  }
0x9f: {  	s3 =	ssub.s32 $0x0, s20;
	[sflag:s22] =	ssyncset.done $0x0  }
0xa0: {  	[sflag:s22] =	ssyncadd.s32 s3;
	_ =	sdelay $0x1  }
0xa1: {  	s23 =	simm.s32 $0x1B8B  }
0xa2: {  	_ =	swait.ge [sflag:s23], $0x1  }
0xa3: {  	[sflag:s23] =	ssyncset.done $0x0  }
0xa4: {  	s25 =	simm.s32 $0x1B8E;
	s24 =	sld [smem:$0x3FFE];
	[sflag:s23] =	ssyncadd.s32 $0xFFFFFFFF  }
0xa5: {  	s26 =	simm.s32 $execute0_lowered;
	[smem:$0x3FD2] =	sst s25  }
0xa6: {  	s4 =	sshll.u32 s26, $0x1;
	_ =	strace $0x80000049;
	[dreg:$0x1] =	wrdreg $0xFFFFFFFF  }
0xa7: {  	s28 =	simm.s32 $_size_execute0_lowered;
	s2 =	sadd.s32 s2, s4;
	[dreg:$0x0] =	wrdreg $0x0  }
0xa8: {  	s4 =	sshll.u32 s28, $0x1;
	[dreg:$0x2] =	wrdreg s2  }
0xa9: {  	[dreg:$0x3] =	wrdreg s4  }
0xaa: {  	[dreg:$0x4] =	wrdreg $0xC0  }
0xab: {  	_ =	task [dreg:s6], $0x5FFFF  }
0xac: {  	[dreg:$0x1] =	wrdreg $0xFFFFFFFF  }
0xad: {  	[dreg:$0x0] =	wrdreg $0x60  }
0xae: {  	[dreg:$0x2] =	wrdreg s24  }
0xaf: {  	[dreg:$0x3] =	wrdreg $0x109D00  }
0xb0: {  	[dreg:$0x4] =	wrdreg $0x9  }
0xb1: {  	_ =	task.clear_ibuf [dreg:s6], $0x5FFFF;
	_ =	strace $0x90000049  }
0xb2: {  	s29 =	simm.s32 $0x9;
	_ =	strace $0x8000004B  }
0xb3: {  	_ =	swait.ge [sflag:s29], $0x1  }
0xb4: {  	[sflag:s29] =	ssyncadd.s32 $0xFFFFFFFF  }
0xb5: {  	_ =	strace $0x9000004B  }
0xb6: {  	_ =	sfence  }
0xb7: {  	s30 =	sld [smem:$0x0];
	_ =	sdelay $0x2  }
0xb8: {  	s31 =	sshll.u32 s1, $0xD;
	s1 =	sshrl.u32 s1, $0x2  }
0xb9: {  	s3 =	sand.u32 $0x4000, s31;
	s1 =	sadd.s32 s1, s30  }
0xba: {  	s0 =	sor.u32 s3, s0;
	s1 =	sshll.u32 s1, $0x11  }
0xbb: {  	s0 =	sor.u32 s1, s0  }
0xbc: {  	s0 =	sadd.s32 $0x8F2B, s0  }
0xbd: {  	[sflag:s0] =	ssyncadd.remote.s32 $0x1  }
0xbe: {  	_ =	sfence.sel $0xFFFF  }
0xbf: {  	[dreg:$0x0] =	wrdreg $0xFFFFFFFF;
	(pc) =	sbr.abs _section_cstart, $3  }
0xc0: {  	[dreg:$0x1] =	wrdreg $0xFFFFFFFF  }
0xc1: {  	_ =	task.clear_ibuf [dreg:s6], $0x2FFFF;
	_ =	strace $0x9FFFFFFF  }
0xc2: {  	(tm) =	ssettm $0x7FFFFFFF  }
0xc3: {  	_ =	shalt  }
tec
execute0_lowered:
.L_overlay_start_1:
0x0: {  	(tag) =	ssettag $0x1  }
0x1: {  	s1 =	srdreg.scid;
	s6 =	rddreg [dreg:$0x0]  }
0x2: {  	s0 =	stileid.u32;
	s2 =	rddreg [dreg:$0x1]  }
0x3: {  	s3 =	simm.s32 $0x0;
	s13 =	simm.s32 $0x7D0;
	s14 =	simm.s32 $0x0  }
0x4: {  	s4 =	sand.u32 $0x1, s1;
	s5 =	smul.u32 $0x186A0, s0;
	s1 =	rddreg [dreg:$0x2]  }
0x5: {  	[smem:$0x7FF] =	sst s3;
	s8 =	smul.u32 $0xC380, s0;
	s29 =	sadd.s32 $0x7E400, s6  }
0x6: {  	p0 =	seq.s32 s0, $0xF;
	s7 =	smul.u32 $0xC350, s4;
	_ =	strace $0x8000004A  }
0x7: {  	s10 =	ssub.s32 $0x2, s4;
	s11 =	smul.u32 $0xC3500, s4;
	s25 =	sshrl.u32 s8, $0x3  }
0x8: {  	s28 =	sshrl.u32 s10, $0x1;
	s5 =	sadd.s32 s7, s5;
	s26 =	sadd.s32 s25, s6  }
0x9: {  	s10 =	ssub.s32 s10, s28;
	s30 =	sadd.s32 s8, s11;
	s11 =	sshrl.u32 s11, $0x3  }
0xa: {  	s7 =	sadd.s32 $0x186A00, s5;
	s9 =	sadd.s32 s5, s6;
	s4 =	sadd.s32 $0x65C00, s26  }
0xb: {  	s31 =	sshrl.u32 s30, $0x3;
	s5 =	sadd.s32 s8, s2;
	s8 =	smax.u32 s10, $0x1  }
0xc: {  	s24 =	sshrl.u32 s7, $0x3;
	s7 =	sadd.s32 s29, s11;
	s9 =	sadd.s32 $0x38B800, s9  }
0xd: {  	s11 =	simm.s32 $0x4650;
	s12 =	sadd.s32 s24, s6;
	s6 =	sadd.s32 s29, s31  }
0xe: {  	s7 =	sadd.s32 $0x16E90, s7;
	s10 =	sadd.s32 $0x4000, s12;
	s12 =	simm.s32 $0x1  }
.LBB2_1:
0xf: {  	[tilespmem:s11], [sflag:$0x1] =	stream.linear.gather [hbm4b:s4+s3], $0xC380, $0x38;
	[tilespmem:$0x1CD50] =	vst v63  }
0x10: {  	_ =	swait.ge [sflag:s12], $0xC380  }
0x11: {  	[sflag:s12] =	ssyncset.done $0x0  }
0x12: {  	[sflag:s12] =	ssyncadd.s32 $0xFFFF3C80  }
0x13: {  	[spmem:s5] =	stream.linear.scatter [tilespmem:s11], [sflag:$0x1], $0xC380, $0x38;
	[tilespmem:$0x1CD50] =	vst v63  }
0x14: {  	_ =	swait.ge [sflag:s12], $0xC380  }
0x15: {  	[sflag:s12] =	ssyncset.done $0x0  }
0x16: {  	[sflag:s12] =	ssyncadd.s32 $0xFFFF3C80  }
0x17: {  	s15 =	sadd.s32 $0x0, s10;
	[bflag:$0x0] =	sbarrier.arrive $0xFFFF  }
0x18: {  	[tilespmem:s3], [sflag:$0x1] =	stream.linear.gather [hbm4b:s15+s3], $0x7D0, $0x38;
	[tilespmem:$0x1CD50] =	vst v63  }
0x19: {  	_ =	swait.ge [sflag:s12], $0x7D0  }
0x1a: {  	[sflag:s12] =	ssyncset.done $0x0  }
0x1b: {  	[sflag:s12] =	ssyncadd.s32 $0xFFFFF830  }
0x1c: {  	[tilespmem:s13], [sflag:$0x1] =	stream.linear.gather [hbm4b:s9+s3], $0x3E80, $0x38;
	[tilespmem:$0x1CD50] =	vst v63  }
0x1d: {  	_ =	swait.ge [sflag:s12], $0x3E80  }
0x1e: {  	[sflag:s12] =	ssyncset.done $0x0  }
0x1f: {  	[sflag:s12] =	ssyncadd.s32 $0xFFFFC180  }
0x20: {  	[spmem:s2] =	stream.indirect.scatter.add.f32 [tilespmem:s13], [sflag:$0x1], $0x8, s3, s13, $0xb8;
	[tilespmem:$0x1CD50] =	vst v63  }
0x21: {  	s16 =	simm.s32 $0xFA;
	_ =	swait.ge [sflag:s12], $0x3E80  }
0x22: {  	s17 =	simm.s32 $0x1F4;
	s15 =	sadd.s32 $0x7D0, s9;
	[sflag:s12] =	ssyncset.done $0x0  }
.LBB2_2:
0x23: {  	s18 =	sadd.s32 s16, s10  }
0x24: {  	[sflag:s12] =	ssyncadd.s32 $0xFFFFC180;
	s16 =	smov.u32 s17;
	s19 =	sadd.s32 $0xFA, s17  }
0x25: {  	[tilespmem:s3], [sflag:$0x1] =	stream.linear.gather [hbm4b:s18+s3], $0x7D0, $0x38;
	[tilespmem:$0x1CD50] =	vst v63  }
0x26: {  	p1 =	sne.s32 s17, $0x1770;
	_ =	swait.ge [sflag:s12], $0x7D0  }
0x27: {  	[sflag:s12] =	ssyncset.done $0x0  }
0x28: {  	[sflag:s12] =	ssyncadd.s32 $0xFFFFF830  }
0x29: {  	[tilespmem:s13], [sflag:$0x1] =	stream.linear.gather [hbm4b:s15+s3], $0x3E80, $0x38;
	[tilespmem:$0x1CD50] =	vst v63  }
0x2a: {  	_ =	swait.ge [sflag:s12], $0x3E80  }
.Ltmp0:
0x2b: {  	[sflag:s12] =	ssyncset.done $0x0;
	(pc) =	sbr.rel @p1 .LBB2_2-.Ltmp0, $4  }
0x2c: {  	[sflag:s12] =	ssyncadd.s32 $0xFFFFC180  }
0x2d: {  	[spmem:s2] =	stream.indirect.scatter.add.f32 [tilespmem:s13], [sflag:$0x1], $0x8, s3, s13, $0xb8;
	[tilespmem:$0x1CD50] =	vst v63  }
0x2e: {  	_ =	swait.ge [sflag:s12], $0x3E80  }
0x2f: {  	s17 =	smov.u32 s19;
	s15 =	sadd.s32 $0x7D0, s15;
	[sflag:s12] =	ssyncset.done $0x0  }
0x30: {  	s16 =	sadd.s32 s16, s10;
	[sflag:s12] =	ssyncadd.s32 $0xFFFFC180  }
0x31: {  	[tilespmem:s3], [sflag:$0x1] =	stream.linear.gather [hbm4b:s16+s3], $0x7D0, $0x38;
	[tilespmem:$0x1CD50] =	vst v63  }
0x32: {  	_ =	swait.ge [sflag:s12], $0x7D0  }
0x33: {  	[sflag:s12] =	ssyncset.done $0x0  }
0x34: {  	[sflag:s12] =	ssyncadd.s32 $0xFFFFF830  }
0x35: {  	[tilespmem:s13], [sflag:$0x1] =	stream.linear.gather [hbm4b:s15+s3], $0x3E80, $0x38;
	[tilespmem:$0x1CD50] =	vst v63  }
0x36: {  	_ =	swait.ge [sflag:s12], $0x3E80  }
0x37: {  	[sflag:s12] =	ssyncset.done $0x0  }
0x38: {  	[sflag:s12] =	ssyncadd.s32 $0xFFFFC180  }
0x39: {  	[spmem:s2] =	stream.indirect.scatter.add.f32 [tilespmem:s13], [sflag:$0x1], $0x8, s3, s13, $0xb8;
	[tilespmem:$0x1CD50] =	vst v63  }
0x3a: {  	_ =	swait.ge [sflag:s12], $0x3E80  }
0x3b: {  	[sflag:s12] =	ssyncset.done $0x0  }
0x3c: {  	[sflag:s12] =	ssyncadd.s32 $0xFFFFC180  }
0x3d: {  	s16 =	simm.s32 @p0 $0x1;
	s15 =	simm.s32 @p0 $0x4650;
	[bflag:$0x0] =	sbarrier.arrive $0xFFFF  }
0x3e: {  	[tilespmem:s15], [sflag:$0x1] =	stream.linear.gather @p0 [spmem:s5], $0xC080, $0x38;
	[tilespmem:$0x1CD50] =	vst v63  }
0x3f: {  	_ =	swait.ge @p0 [sflag:s16], $0xC080  }
0x40: {  	[sflag:s16] =	ssyncset.done @p0 $0x0  }
0x41: {  	s17 =	simm.s32 @p0 $0x0;
	[sflag:s16] =	ssyncadd.s32 @p0 $0xFFFF3F80  }
0x42: {  	[hbm4b:s7+s17] =	stream.linear.scatter @p0 [tilespmem:s15], [sflag:$0x1], $0xC080, $0x38;
	[tilespmem:$0x1CD50] =	vst v63  }
0x43: {  	_ =	swait.ge @p0 [sflag:s16], $0xC080  }
0x44: {  	[sflag:s16] =	ssyncset.done @p0 $0x0  }
0x45: {  	s15 =	simm.s32 @!p0 $0x4650;
	[sflag:s16] =	ssyncadd.s32 @p0 $0xFFFF3F80;
	s16 =	simm.s32 @!p0 $0x1  }
0x46: {  	[tilespmem:s15], [sflag:$0x1] =	stream.linear.gather @!p0 [spmem:s5], $0xC380, $0x38;
	[tilespmem:$0x1CD50] =	vst v63  }
0x47: {  	s14 =	sadd.s32 $0x1, s14;
	_ =	swait.ge @!p0 [sflag:s16], $0xC380  }
0x48: {  	p1 =	sne.s32 s14, s8;
	[sflag:s16] =	ssyncset.done @!p0 $0x0  }
.Ltmp1:
0x49: {  	s17 =	simm.s32 @!p0 $0x0;
	[sflag:s16] =	ssyncadd.s32 @!p0 $0xFFFF3C80;
	(pc) =	sbr.rel @p1 .LBB2_1-.Ltmp1, $4  }
0x4a: {  	[hbm4b:s6+s17] =	stream.linear.scatter @!p0 [tilespmem:s15], [sflag:$0x1], $0xC380, $0x38;
	[tilespmem:$0x1CD50] =	vst v63  }
0x4b: {  	_ =	swait.ge @!p0 [sflag:s16], $0xC380  }
0x4c: {  	[sflag:s16] =	ssyncset.done @!p0 $0x0  }
0x4d: {  	[sflag:s16] =	ssyncadd.s32 @!p0 $0xFFFF3C80  }
0x4e: {  	_ =	sfence.sel $0x180000  }
0x4f: {  	[bflag:$0x0] =	sbarrier.arrive $0xFFFF  }
0x50: {  	p0 =	sne.s32 s0, $0x0;
	_ =	strace $0x9000004A  }
0x51: {  	s0 =	sadd.s32 @!p0 $0x100000, s1;
	[bflag:$0x2] =	sbarrier.arrive $0xFFFF  }
0x52: {  	[sflag:s0] =	ssyncadd.tile.s32 @!p0 $0x1;
	_ =	shalt  }
.Lfunc_end2:
_tile_overlayer_lowered:
.L_overlay_start_2:
0x53: {  	(tag) =	ssettag $0x2  }
0x54: {  	s0 =	rddreg [dreg:$0x0];
	s2 =	stileid.u32  }
0x55: {  	s1 =	rddreg [dreg:$0x1];
	p0 =	sne.s32 s2, $0x0  }
0x56: {  	s3 =	rddreg [dreg:$0x2];
	[bflag:$0x3] =	sbarrier.arrive $0xFFFF;
	s2 =	simm.s32 @!p0 $0x1C01  }
0x57: {  	[timem:s3], [sflag:s2] =	dma.local @!p0 [hbm:s0], s1  }
0x58: {  	s0 =	simm.s32 @!p0 $0x1  }
0x59: {  	_ =	swait.ge @!p0 [sflag:s0], s1  }
0x5a: {  	s1 =	ssub.s32 @!p0 $0x0, s1;
	[sflag:s0] =	ssyncset.done @!p0 $0x0  }
0x5b: {  	[sflag:s0] =	ssyncadd.s32 @!p0 s1  }
0x5c: {  	[bflag:$0x3] =	sbarrier.arrive $0xFFFF  }
0x5d: {  	_ =	shalt  }

// kernel: kernel.17.cloned.1.call-start
scs
__scs_entry_jumppad:
0x0: {  	(pc) =	sbr.rel $0x88, $3  }
0x1: {  	(tag) =	ssettag $0x0;
	lr =	simm.s32 $0x1  }
0x2: {  	[smem:$0x3F91] =	sst lr;
	_ =	strace $0xD0000000  }
0x3: {  	_ = 	snop  }
0x4: {  	_ = 	snop  }
0x5: {  	_ = 	snop  }
0x6: {  	_ = 	snop  }
0x7: {  	_ = 	snop  }
__scs_overlays_trampoline_lowered:
0x8: {  	[smem:$0x3FA0] =	sst s0  }
0x9: {  	[smem:$0x3FA1] =	sst s1  }
0xa: {  	[smem:$0x3FA2] =	sst s2  }
0xb: {  	[smem:$0x3FA3] =	sst s3  }
0xc: {  	[smem:$0x3FA4] =	sst s4  }
0xd: {  	[smem:$0x3FA5] =	sst s5  }
0xe: {  	[smem:$0x3FA6] =	sst s6  }
0xf: {  	[smem:$0x3FA7] =	sst s7  }
0x10: {  	[smem:$0x3FA8] =	sst s8  }
0x11: {  	[smem:$0x3FA9] =	sst s9;
	s0 =	simm.s32 @!p0 $0x0  }
0x12: {  	s1 =	sld [smem:$0x3F8F];
	s0 =	simm.s32 @p0 $0x1  }
0x13: {  	[smem:$0x3FAA] =	sst s0;
	s0 =	simm.s32 @!p1 $0x0  }
0x14: {  	s2 =	sld [smem:$0x3F8E];
	s0 =	simm.s32 @p1 $0x1  }
0x15: {  	[smem:$0x3FAB] =	sst s0;
	s0 =	simm.s32 @!p2 $0x0  }
0x16: {  	s3 =	sld [smem:$0x3FDB];
	s0 =	simm.s32 @p2 $0x1  }
0x17: {  	s4 =	simm.s32 $0x1BF5;
	[smem:$0x3FAD] =	sst s0  }
0x18: {  	s0 =	sld [smem:$0x3F90];
	_ =	swait.ge [sflag:s4], $0x0  }
0x19: {  	s7 =	sld [smem:$0x3F91]  }
0x1a: {  	s8 =	sadd.s32 $0xFFFFE003, lr  }
0x1b: {  	s9 =	sadd.s32 $0xFFFFFEF7, lr;
	s5 =	simm.s32 $0xFFFFFFFF;
	p2 =	slt.u32 s8, $0xFFFFF086  }
0x1c: {  	p1 =	slt.u32 s9, $0xF7A;
	s5 =	simm.s32 @!p2 $0x0  }
0x1d: {  	s5 =	simm.s32 @p1 $0x1;
	p0 =	seq.s32 s7, s2  }
0x1e: {  	s7 =	smul.u32 @!p0 $0xF7A, s2;
	p2 =	seq.s32 @!p0 s5, $0x0  }
0x1f: {  	s9 =	smul.u32 $0xF7A, s1;
	s8 =	simm.s32 @!p0 $0x1BF5;
	p2 =	por !p2, p0  }
0x20: {  	[sflag:s8] =	ssyncset.s32 @!p0 $0xFFFFF086;
	s6 =	sadd.s32 @!p0 s3, s7;
	s7 =	simm.s32 @!p0 $0x108  }
0x21: {  	s3 =	sadd.s32 s3, s9;
	s6 =	sadd.s32 @!p0 $0x88, s6;
	s7 =	simm.s32 @p2 $0x1082  }
0x22: {  	[simem:s7], [sflag:s8] =	dma.local @!p0 [hbm:s6], $0xF7A  }
0x23: {  	s9 =	sor.u32 $0xD0000000, s2;
	s6 =	simm.s32 $0x108;
	_ =	swait.ge @!p0 [sflag:s8], $0x0  }
0x24: {  	s3 =	sadd.s32 $0x88, s3;
	s6 =	simm.s32 @!p1 $0x1082;
	[sflag:s4] =	ssyncset.s32 $0xFFFFF086  }
0x25: {  	[simem:s6], [sflag:s4] =	dma.local [hbm:s3], $0xF7A  }
0x26: {  	[smem:$0x3F91] =	sst s1;
	(tag) =	ssettag s2;
	_ =	strace s9  }
0x27: {  	s1 =	sld [smem:$0x3FA1]  }
0x28: {  	s2 =	sld [smem:$0x3FA2]  }
0x29: {  	s4 =	sld [smem:$0x3FA4]  }
0x2a: {  	p0 =	seq.s32 s5, $0x0;
	s5 =	sld [smem:$0x3FA5]  }
0x2b: {  	s6 =	sld [smem:$0x3FA6]  }
0x2c: {  	s7 =	sld [smem:$0x3FA7]  }
0x2d: {  	s3 =	simm.s32 $0x108;
	s8 =	sld [smem:$0x3FA8]  }
0x2e: {  	s3 =	simm.s32 @!p0 $0x1082;
	s9 =	sld [smem:$0x3FA9]  }
0x2f: {  	lr =	sadd.s32 s0, s3;
	s0 =	sld [smem:$0x3FA0]  }
0x30: {  	s3 =	sld [smem:$0x3FA3]  }
0x31: {  	[smem:$0x3FAC] =	sst s10  }
0x32: {  	s10 =	sld [smem:$0x3FAA];
	_ =	sdelay $0x3  }
0x33: {  	p0 =	seq.s32 s10, $0x1;
	s10 =	sld [smem:$0x3FAC];
	_ =	sdelay $0x3  }
0x34: {  	[smem:$0x3FAC] =	sst s10  }
0x35: {  	s10 =	sld [smem:$0x3FAB];
	_ =	sdelay $0x3  }
0x36: {  	p1 =	seq.s32 s10, $0x1;
	s10 =	sld [smem:$0x3FAC];
	_ =	sdelay $0x3  }
0x37: {  	[smem:$0x3FAC] =	sst s10  }
0x38: {  	s10 =	sld [smem:$0x3FAD]  }
0x39: {  	_ = 	snop;
	(pc) =	sbr.ind lr, $3  }
0x3a: {  	_ = 	snop  }
0x3b: {  	_ = 	snop  }
0x3c: {  	p2 =	seq.s32 s10, $0x1;
	s10 =	sld [smem:$0x3FAC]  }
0x3d: {  	_ =	shalt  }
0x3e: {  	_ =	shalt  }
0x3f: {  	_ =	shalt  }
0x40: {  	_ =	shalt  }
0x41: {  	_ =	shalt  }
0x42: {  	_ =	shalt  }
0x43: {  	_ =	shalt  }
0x44: {  	_ =	shalt  }
0x45: {  	_ =	shalt  }
0x46: {  	_ =	shalt  }
0x47: {  	_ =	shalt  }
0x48: {  	_ =	shalt  }
0x49: {  	_ =	shalt  }
0x4a: {  	_ =	shalt  }
0x4b: {  	_ =	shalt  }
0x4c: {  	_ =	shalt  }
0x4d: {  	_ =	shalt  }
0x4e: {  	_ =	shalt  }
0x4f: {  	_ =	shalt  }
0x50: {  	_ =	shalt  }
0x51: {  	_ =	shalt  }
0x52: {  	_ =	shalt  }
0x53: {  	_ =	shalt  }
0x54: {  	_ =	shalt  }
0x55: {  	_ =	shalt  }
0x56: {  	_ =	shalt  }
0x57: {  	_ =	shalt  }
0x58: {  	_ =	shalt  }
0x59: {  	_ =	shalt  }
0x5a: {  	_ =	shalt  }
0x5b: {  	_ =	shalt  }
0x5c: {  	_ =	shalt  }
0x5d: {  	_ =	shalt  }
0x5e: {  	_ =	shalt  }
0x5f: {  	_ =	shalt  }
0x60: {  	_ =	shalt  }
0x61: {  	_ =	shalt  }
0x62: {  	_ =	shalt  }
0x63: {  	_ =	shalt  }
0x64: {  	_ =	shalt  }
0x65: {  	_ =	shalt  }
0x66: {  	_ =	shalt  }
0x67: {  	_ =	shalt  }
0x68: {  	_ =	shalt  }
0x69: {  	_ =	shalt  }
0x6a: {  	_ =	shalt  }
0x6b: {  	_ =	shalt  }
0x6c: {  	_ =	shalt  }
0x6d: {  	_ =	shalt  }
0x6e: {  	_ =	shalt  }
0x6f: {  	_ =	shalt  }
0x70: {  	_ =	shalt  }
0x71: {  	_ =	shalt  }
0x72: {  	_ =	shalt  }
0x73: {  	_ =	shalt  }
0x74: {  	_ =	shalt  }
0x75: {  	_ =	shalt  }
0x76: {  	_ =	shalt  }
0x77: {  	_ =	shalt  }
0x78: {  	_ =	shalt  }
0x79: {  	_ =	shalt  }
0x7a: {  	_ =	shalt  }
0x7b: {  	_ =	shalt  }
0x7c: {  	_ =	shalt  }
0x7d: {  	_ =	shalt  }
0x7e: {  	_ =	shalt  }
0x7f: {  	_ =	shalt  }
0x80: {  	_ =	shalt  }
0x81: {  	_ =	shalt  }
0x82: {  	_ =	shalt  }
0x83: {  	_ =	shalt  }
0x84: {  	_ =	shalt  }
0x85: {  	_ =	shalt  }
0x86: {  	_ =	shalt  }
0x87: {  	_ =	shalt  }
.Lfunc_end0:
.L_simem_size_0:
called_computation.2_lowered:
.L_overlay_start_0:
0x88: {  	s2 =	sld [smem:$0x3FD9]  }
0x89: {  	s3 =	sld [smem:$0x3FFE];
	_ =	sdelay $0x1  }
0x8a: {  	s1 =	srdreg.scid  }
0x8b: {  	s0 =	sand.u32 $0x1, s1  }
0x8c: {  	s16 =	sshll.u32 s0, $0xA;
	s2 =	sadd.s32 s3, s2  }
0x8d: {  	s2 =	sadd.s32 s2, s16  }
0x8e: {  	[smem:$0x3FB8] =	sst s2  }
0x8f: {  	_ = 	snop  }
0x90: {  	(tm) =	ssettm $0x1  }
0x91: {  	s17 =	sld [smem:$0x3FFB];
	_ =	sdelay $0x3  }
0x92: {  	_ =	strace s17  }
0x93: {  	s2 =	sld [smem:$0x3FFC];
	_ =	sdelay $0x3  }
0x94: {  	_ =	strace s2  }
0x95: {  	s2 =	sld [smem:$0x3FFD];
	_ =	sdelay $0x3  }
0x96: {  	_ =	strace s2  }
0x97: {  	_ =	strace $0x8FFFFFFF  }
0x98: {  	s18 =	sld [smem:$0x3FDB];
	_ =	sdelay $0x1  }
0x99: {  	s19 =	simm.s32 $_scs_section_size  }
0x9a: {  	s4 =	simm.s32 $_size__tile_overlayer_lowered;
	s5 =	simm.s32 $_tile_overlayer_lowered  }
0x9b: {  	s22 =	simm.s32 $0x1BFF;
	s21 =	sshll.u32 s5, $0x1;
	s2 =	sadd.s32 s19, s18  }
0x9c: {  	s6 =	simm.s32 $0x0;
	s20 =	sshll.u32 s4, $0x1;
	s4 =	sadd.s32 s21, s2  }
0x9d: {  	[timem:s6], [sflag:s22] =	dma.local [hbm:s4], s20  }
0x9e: {  	_ =	swait.ge [sflag:s22], s20  }
0x9f: {  	s3 =	ssub.s32 $0x0, s20;
	[sflag:s22] =	ssyncset.done $0x0  }
0xa0: {  	[sflag:s22] =	ssyncadd.s32 s3;
	_ =	sdelay $0x1  }
0xa1: {  	s23 =	simm.s32 $0x1B8B  }
0xa2: {  	_ =	swait.ge [sflag:s23], $0x1  }
0xa3: {  	[sflag:s23] =	ssyncset.done $0x0  }
0xa4: {  	s25 =	simm.s32 $0x1B8E;
	s24 =	sld [smem:$0x3FFE];
	[sflag:s23] =	ssyncadd.s32 $0xFFFFFFFF  }
0xa5: {  	s26 =	simm.s32 $execute0_lowered;
	[smem:$0x3FD2] =	sst s25  }
0xa6: {  	s4 =	sshll.u32 s26, $0x1;
	_ =	strace $0x8000004C;
	[dreg:$0x1] =	wrdreg $0xFFFFFFFF  }
0xa7: {  	s28 =	simm.s32 $_size_execute0_lowered;
	s2 =	sadd.s32 s2, s4;
	[dreg:$0x0] =	wrdreg $0x0  }
0xa8: {  	s4 =	sshll.u32 s28, $0x1;
	[dreg:$0x2] =	wrdreg s2  }
0xa9: {  	[dreg:$0x3] =	wrdreg s4  }
0xaa: {  	[dreg:$0x4] =	wrdreg $0xC0  }
0xab: {  	_ =	task [dreg:s6], $0x5FFFF  }
0xac: {  	[dreg:$0x1] =	wrdreg $0xFFFFFFFF  }
0xad: {  	[dreg:$0x0] =	wrdreg $0x60  }
0xae: {  	[dreg:$0x2] =	wrdreg s24  }
0xaf: {  	[dreg:$0x3] =	wrdreg $0x9  }
0xb0: {  	_ =	task.clear_ibuf [dreg:s6], $0x4FFFF;
	_ =	strace $0x9000004C  }
0xb1: {  	s29 =	simm.s32 $0x9;
	_ =	strace $0x8000004E  }
0xb2: {  	_ =	swait.ge [sflag:s29], $0x1  }
0xb3: {  	[sflag:s29] =	ssyncadd.s32 $0xFFFFFFFF  }
0xb4: {  	_ =	strace $0x9000004E  }
0xb5: {  	_ =	sfence  }
0xb6: {  	s30 =	sld [smem:$0x0];
	_ =	sdelay $0x2  }
0xb7: {  	s31 =	sshll.u32 s1, $0xD;
	s1 =	sshrl.u32 s1, $0x2  }
0xb8: {  	s3 =	sand.u32 $0x4000, s31;
	s1 =	sadd.s32 s1, s30  }
0xb9: {  	s0 =	sor.u32 s3, s0;
	s1 =	sshll.u32 s1, $0x11  }
0xba: {  	s0 =	sor.u32 s1, s0  }
0xbb: {  	s0 =	sadd.s32 $0x8F2B, s0  }
0xbc: {  	[sflag:s0] =	ssyncadd.remote.s32 $0x1  }
0xbd: {  	_ =	sfence.sel $0xFFFF  }
0xbe: {  	[dreg:$0x0] =	wrdreg $0xFFFFFFFF;
	(pc) =	sbr.abs _section_cstart, $3  }
0xbf: {  	[dreg:$0x1] =	wrdreg $0xFFFFFFFF  }
0xc0: {  	_ =	task.clear_ibuf [dreg:s6], $0x2FFFF;
	_ =	strace $0x9FFFFFFF  }
0xc1: {  	(tm) =	ssettm $0x7FFFFFFF  }
tec
execute0_lowered:
.L_overlay_start_1:
0x0: {  	(tag) =	ssettag $0x1  }
0x1: {  	s4 =	rddreg [dreg:$0x0]  }
0x2: {  	s0 =	rddreg [dreg:$0x1]  }
0x3: {  	s3 =	srdreg.scid;
	s1 =	stileid.u32;
	s2 =	simm.s32 $0x0  }
0x4: {  	s10 =	simm.s32 $0x1388;
	s11 =	simm.s32 $0x2710;
	s12 =	simm.s32 $0xC350  }
0x5: {  	s13 =	simm.s32 $0x1;
	s3 =	sand.u32 $0x1, s3;
	s5 =	smul.u32 $0x186A0, s1  }
0x6: {  	s14 =	simm.s32 $0x2;
	s15 =	simm.s32 $0x0;
	s6 =	smul.u32 $0xC350, s3  }
0x7: {  	[smem:$0x7FF] =	sst s2;
	s9 =	sadd.s32 $0x4000, s4;
	s7 =	ssub.s32 $0x2, s3  }
0x8: {  	_ =	strace $0x8000004D;
	s29 =	sshrl.u32 s7, $0x1;
	s8 =	sadd.s32 s6, s5  }
0x9: {  	s3 =	sadd.s32 $0x7E400, s4;
	s30 =	ssub.s32 s7, s29;
	s6 =	sadd.s32 s8, s4  }
0xa: {  	s4 =	smax.u32 s30, $0x1;
	s31 =	sadd.s32 $0x186A00, s8;
	s8 =	sshrl.u32 s8, $0x3  }
0xb: {  	s5 =	sadd.s32 $0x21D600, s6;
	s6 =	sadd.s32 $0x96C00, s6;
	s7 =	sshrl.u32 s31, $0x3  }
0xc: {  	s8 =	sadd.s32 s8, s9;
	s7 =	sadd.s32 s7, s9;
	s9 =	simm.s32 $0x3  }
.LBB2_1:
0xd: {  	s16 =	sadd.s32 $0x0, s7  }
0xe: {  	[tilespmem:s2], [sflag:$0x3] =	stream.linear.gather [hbm4b:s16+s2], $0x1388, $0x38;
	[tilespmem:$0x15F90] =	vst v63  }
0xf: {  	_ =	swait.ge [sflag:s9], $0x1388  }
0x10: {  	[sflag:s9] =	ssyncset.done $0x0  }
0x11: {  	s31 =	sadd.s32 $0x0, s8;
	[sflag:s9] =	ssyncadd.s32 $0xFFFFEC78  }
0x12: {  	[tilespmem:s10], [sflag:$0x3] =	stream.linear.gather [hbm4b:s31+s2], $0x1388, $0x38;
	[tilespmem:$0x15F90] =	vst v63  }
0x13: {  	_ =	swait.ge [sflag:s9], $0x1388  }
0x14: {  	[sflag:s9] =	ssyncset.done $0x0  }
0x15: {  	[sflag:s9] =	ssyncadd.s32 $0xFFFFEC78  }
0x16: {  	[tilespmem:s11], [sflag:$0x1] =	stream.indirect.gather [hbm4b:s3+s10], $0x8, s2, s10, $0xb8;
	[tilespmem:$0x15F90] =	vst v63  }
0x17: {  	_ = 	snop  }
0x18: {  	[tilespmem:s12], [sflag:$0x2] =	stream.indirect.gather [hbm4b:s3+s10], $0x8, s10, s10, $0xb8;
	[tilespmem:$0x15F90] =	vst v63  }
0x19: {  	_ =	swait.ge [sflag:s13], $0x9C40  }
0x1a: {  	[sflag:s13] =	ssyncset.done $0x0  }
0x1b: {  	[sflag:s13] =	ssyncadd.s32 $0xFFFF63C0  }
0x1c: {  	_ =	swait.ge [sflag:s14], $0x9C40  }
0x1d: {  	[sflag:s14] =	ssyncset.done $0x0  }
0x1e: {  	[sflag:s14] =	ssyncadd.s32 $0xFFFF63C0  }
0x1f: {  	[hbm4b:s6+s2] =	stream.linear.scatter [tilespmem:s11], [sflag:$0x3], $0x9C40, $0x38;
	[tilespmem:$0x15F90] =	vst v63  }
0x20: {  	_ =	swait.ge [sflag:s9], $0x9C40  }
0x21: {  	[sflag:s9] =	ssyncset.done $0x0  }
0x22: {  	[sflag:s9] =	ssyncadd.s32 $0xFFFF63C0  }
0x23: {  	[hbm4b:s5+s2] =	stream.linear.scatter [tilespmem:s12], [sflag:$0x3], $0x9C40, $0x38;
	[tilespmem:$0x15F90] =	vst v63  }
0x24: {  	s18 =	simm.s32 $0x271;
	s19 =	simm.s32 $0x4E2;
	_ =	swait.ge [sflag:s9], $0x9C40  }
0x25: {  	s17 =	sadd.s32 $0x1388, s6;
	s16 =	sadd.s32 $0x1388, s5;
	[sflag:s9] =	ssyncset.done $0x0  }
.LBB2_2:
0x26: {  	s20 =	sadd.s32 s18, s7  }
0x27: {  	[sflag:s9] =	ssyncadd.s32 $0xFFFF63C0;
	s21 =	smov.u32 s19;
	s22 =	sadd.s32 $0x271, s19  }
0x28: {  	[tilespmem:s2], [sflag:$0x3] =	stream.linear.gather [hbm4b:s20+s2], $0x1388, $0x38;
	[tilespmem:$0x15F90] =	vst v63  }
0x29: {  	p0 =	sne.s32 s19, $0x15F9;
	_ =	swait.ge [sflag:s9], $0x1388  }
0x2a: {  	[sflag:s9] =	ssyncset.done $0x0  }
0x2b: {  	s19 =	sadd.s32 s18, s8;
	s18 =	smov.u32 s21;
	[sflag:s9] =	ssyncadd.s32 $0xFFFFEC78  }
0x2c: {  	[tilespmem:s10], [sflag:$0x3] =	stream.linear.gather [hbm4b:s19+s2], $0x1388, $0x38;
	[tilespmem:$0x15F90] =	vst v63  }
0x2d: {  	_ =	swait.ge [sflag:s9], $0x1388  }
0x2e: {  	[sflag:s9] =	ssyncset.done $0x0  }
0x2f: {  	[sflag:s9] =	ssyncadd.s32 $0xFFFFEC78  }
0x30: {  	[tilespmem:s11], [sflag:$0x1] =	stream.indirect.gather [hbm4b:s3+s10], $0x8, s2, s10, $0xb8;
	[tilespmem:$0x15F90] =	vst v63  }
0x31: {  	_ = 	snop  }
0x32: {  	[tilespmem:s12], [sflag:$0x2] =	stream.indirect.gather [hbm4b:s3+s10], $0x8, s10, s10, $0xb8;
	[tilespmem:$0x15F90] =	vst v63  }
0x33: {  	_ =	swait.ge [sflag:s13], $0x9C40  }
0x34: {  	[sflag:s13] =	ssyncset.done $0x0  }
0x35: {  	[sflag:s13] =	ssyncadd.s32 $0xFFFF63C0  }
0x36: {  	_ =	swait.ge [sflag:s14], $0x9C40  }
0x37: {  	[sflag:s14] =	ssyncset.done $0x0  }
0x38: {  	[sflag:s14] =	ssyncadd.s32 $0xFFFF63C0  }
0x39: {  	[hbm4b:s17+s2] =	stream.linear.scatter [tilespmem:s11], [sflag:$0x3], $0x9C40, $0x38;
	[tilespmem:$0x15F90] =	vst v63  }
0x3a: {  	_ =	swait.ge [sflag:s9], $0x9C40  }
.Ltmp0:
0x3b: {  	[sflag:s9] =	ssyncset.done $0x0;
	(pc) =	sbr.rel @p0 .LBB2_2-.Ltmp0, $4  }
0x3c: {  	[sflag:s9] =	ssyncadd.s32 $0xFFFF63C0  }
0x3d: {  	[hbm4b:s16+s2] =	stream.linear.scatter [tilespmem:s12], [sflag:$0x3], $0x9C40, $0x38;
	[tilespmem:$0x15F90] =	vst v63  }
0x3e: {  	s19 =	smov.u32 s22;
	_ =	swait.ge [sflag:s9], $0x9C40  }
0x3f: {  	s17 =	sadd.s32 $0x1388, s17;
	s16 =	sadd.s32 $0x1388, s16;
	[sflag:s9] =	ssyncset.done $0x0  }
0x40: {  	s19 =	sadd.s32 s18, s7;
	[sflag:s9] =	ssyncadd.s32 $0xFFFF63C0  }
0x41: {  	[tilespmem:s2], [sflag:$0x3] =	stream.linear.gather [hbm4b:s19+s2], $0x1388, $0x38;
	[tilespmem:$0x15F90] =	vst v63  }
0x42: {  	_ =	swait.ge [sflag:s9], $0x1388  }
0x43: {  	[sflag:s9] =	ssyncset.done $0x0  }
0x44: {  	s31 =	sadd.s32 s18, s8;
	[sflag:s9] =	ssyncadd.s32 $0xFFFFEC78  }
0x45: {  	[tilespmem:s10], [sflag:$0x3] =	stream.linear.gather [hbm4b:s31+s2], $0x1388, $0x38;
	[tilespmem:$0x15F90] =	vst v63  }
0x46: {  	_ =	swait.ge [sflag:s9], $0x1388  }
0x47: {  	[sflag:s9] =	ssyncset.done $0x0  }
0x48: {  	[sflag:s9] =	ssyncadd.s32 $0xFFFFEC78  }
0x49: {  	[tilespmem:s11], [sflag:$0x1] =	stream.indirect.gather [hbm4b:s3+s10], $0x8, s2, s10, $0xb8;
	[tilespmem:$0x15F90] =	vst v63  }
0x4a: {  	_ = 	snop  }
0x4b: {  	[tilespmem:s12], [sflag:$0x2] =	stream.indirect.gather [hbm4b:s3+s10], $0x8, s10, s10, $0xb8;
	[tilespmem:$0x15F90] =	vst v63  }
0x4c: {  	_ =	swait.ge [sflag:s13], $0x9C40  }
0x4d: {  	[sflag:s13] =	ssyncset.done $0x0  }
0x4e: {  	[sflag:s13] =	ssyncadd.s32 $0xFFFF63C0  }
0x4f: {  	_ =	swait.ge [sflag:s14], $0x9C40  }
0x50: {  	[sflag:s14] =	ssyncset.done $0x0  }
0x51: {  	[sflag:s14] =	ssyncadd.s32 $0xFFFF63C0  }
0x52: {  	[hbm4b:s17+s2] =	stream.linear.scatter [tilespmem:s11], [sflag:$0x3], $0x9C40, $0x38;
	[tilespmem:$0x15F90] =	vst v63  }
0x53: {  	s15 =	sadd.s32 $0x1, s15;
	_ =	swait.ge [sflag:s9], $0x9C40  }
0x54: {  	p0 =	sne.s32 s15, s4;
	[sflag:s9] =	ssyncset.done $0x0  }
.Ltmp1:
0x55: {  	[sflag:s9] =	ssyncadd.s32 $0xFFFF63C0;
	(pc) =	sbr.rel @p0 .LBB2_1-.Ltmp1, $4  }
0x56: {  	[hbm4b:s16+s2] =	stream.linear.scatter [tilespmem:s12], [sflag:$0x3], $0x9C40, $0x38;
	[tilespmem:$0x15F90] =	vst v63  }
0x57: {  	_ =	swait.ge [sflag:s9], $0x9C40  }
0x58: {  	[sflag:s9] =	ssyncset.done $0x0  }
0x59: {  	[sflag:s9] =	ssyncadd.s32 $0xFFFF63C0  }
0x5a: {  	_ =	sfence.sel $0x180000  }
0x5b: {  	[bflag:$0x0] =	sbarrier.arrive $0xFFFF  }
0x5c: {  	p0 =	sne.s32 s1, $0x0;
	_ =	strace $0x9000004D  }
0x5d: {  	s0 =	sadd.s32 @!p0 $0x100000, s0;
	[bflag:$0x2] =	sbarrier.arrive $0xFFFF  }
0x5e: {  	[sflag:s0] =	ssyncadd.tile.s32 @!p0 $0x1;
	_ =	shalt  }
.Lfunc_end2:
_tile_overlayer_lowered:
.L_overlay_start_2:
0x5f: {  	(tag) =	ssettag $0x2  }
0x60: {  	s0 =	rddreg [dreg:$0x0];
	s2 =	stileid.u32  }
0x61: {  	s1 =	rddreg [dreg:$0x1];
	p0 =	sne.s32 s2, $0x0  }
0x62: {  	s3 =	rddreg [dreg:$0x2];
	[bflag:$0x3] =	sbarrier.arrive $0xFFFF;
	s2 =	simm.s32 @!p0 $0x1C03  }
0x63: {  	[timem:s3], [sflag:s2] =	dma.local @!p0 [hbm:s0], s1  }
0x64: {  	s0 =	simm.s32 @!p0 $0x3  }
0x65: {  	_ =	swait.ge @!p0 [sflag:s0], s1  }
0x66: {  	s1 =	ssub.s32 @!p0 $0x0, s1;
	[sflag:s0] =	ssyncset.done @!p0 $0x0  }
0x67: {  	[sflag:s0] =	ssyncadd.s32 @!p0 s1  }
0x68: {  	[bflag:$0x3] =	sbarrier.arrive $0xFFFF  }
0x69: {  	_ =	shalt  }

// kernel: kernel.20.cloned.1.call-start
scs
__scs_entry_jumppad:
0x0: {  	(pc) =	sbr.rel $0x88, $3  }
0x1: {  	(tag) =	ssettag $0x0;
	lr =	simm.s32 $0x1  }
0x2: {  	[smem:$0x3F91] =	sst lr;
	_ =	strace $0xD0000000  }
0x3: {  	_ = 	snop  }
0x4: {  	_ = 	snop  }
0x5: {  	_ = 	snop  }
0x6: {  	_ = 	snop  }
0x7: {  	_ = 	snop  }
__scs_overlays_trampoline_lowered:
0x8: {  	[smem:$0x3FA0] =	sst s0  }
0x9: {  	[smem:$0x3FA1] =	sst s1  }
0xa: {  	[smem:$0x3FA2] =	sst s2  }
0xb: {  	[smem:$0x3FA3] =	sst s3  }
0xc: {  	[smem:$0x3FA4] =	sst s4  }
0xd: {  	[smem:$0x3FA5] =	sst s5  }
0xe: {  	[smem:$0x3FA6] =	sst s6  }
0xf: {  	[smem:$0x3FA7] =	sst s7  }
0x10: {  	[smem:$0x3FA8] =	sst s8  }
0x11: {  	[smem:$0x3FA9] =	sst s9;
	s0 =	simm.s32 @!p0 $0x0  }
0x12: {  	s1 =	sld [smem:$0x3F8F];
	s0 =	simm.s32 @p0 $0x1  }
0x13: {  	[smem:$0x3FAA] =	sst s0;
	s0 =	simm.s32 @!p1 $0x0  }
0x14: {  	s2 =	sld [smem:$0x3F8E];
	s0 =	simm.s32 @p1 $0x1  }
0x15: {  	[smem:$0x3FAB] =	sst s0;
	s0 =	simm.s32 @!p2 $0x0  }
0x16: {  	s3 =	sld [smem:$0x3FDB];
	s0 =	simm.s32 @p2 $0x1  }
0x17: {  	s4 =	simm.s32 $0x1BF5;
	[smem:$0x3FAD] =	sst s0  }
0x18: {  	s0 =	sld [smem:$0x3F90];
	_ =	swait.ge [sflag:s4], $0x0  }
0x19: {  	s7 =	sld [smem:$0x3F91]  }
0x1a: {  	s8 =	sadd.s32 $0xFFFFE003, lr  }
0x1b: {  	s9 =	sadd.s32 $0xFFFFFEF7, lr;
	s5 =	simm.s32 $0xFFFFFFFF;
	p2 =	slt.u32 s8, $0xFFFFF086  }
0x1c: {  	p1 =	slt.u32 s9, $0xF7A;
	s5 =	simm.s32 @!p2 $0x0  }
0x1d: {  	s5 =	simm.s32 @p1 $0x1;
	p0 =	seq.s32 s7, s2  }
0x1e: {  	s7 =	smul.u32 @!p0 $0xF7A, s2;
	p2 =	seq.s32 @!p0 s5, $0x0  }
0x1f: {  	s9 =	smul.u32 $0xF7A, s1;
	s8 =	simm.s32 @!p0 $0x1BF5;
	p2 =	por !p2, p0  }
0x20: {  	[sflag:s8] =	ssyncset.s32 @!p0 $0xFFFFF086;
	s6 =	sadd.s32 @!p0 s3, s7;
	s7 =	simm.s32 @!p0 $0x108  }
0x21: {  	s3 =	sadd.s32 s3, s9;
	s6 =	sadd.s32 @!p0 $0x88, s6;
	s7 =	simm.s32 @p2 $0x1082  }
0x22: {  	[simem:s7], [sflag:s8] =	dma.local @!p0 [hbm:s6], $0xF7A  }
0x23: {  	s9 =	sor.u32 $0xD0000000, s2;
	s6 =	simm.s32 $0x108;
	_ =	swait.ge @!p0 [sflag:s8], $0x0  }
0x24: {  	s3 =	sadd.s32 $0x88, s3;
	s6 =	simm.s32 @!p1 $0x1082;
	[sflag:s4] =	ssyncset.s32 $0xFFFFF086  }
0x25: {  	[simem:s6], [sflag:s4] =	dma.local [hbm:s3], $0xF7A  }
0x26: {  	[smem:$0x3F91] =	sst s1;
	(tag) =	ssettag s2;
	_ =	strace s9  }
0x27: {  	s1 =	sld [smem:$0x3FA1]  }
0x28: {  	s2 =	sld [smem:$0x3FA2]  }
0x29: {  	s4 =	sld [smem:$0x3FA4]  }
0x2a: {  	p0 =	seq.s32 s5, $0x0;
	s5 =	sld [smem:$0x3FA5]  }
0x2b: {  	s6 =	sld [smem:$0x3FA6]  }
0x2c: {  	s7 =	sld [smem:$0x3FA7]  }
0x2d: {  	s3 =	simm.s32 $0x108;
	s8 =	sld [smem:$0x3FA8]  }
0x2e: {  	s3 =	simm.s32 @!p0 $0x1082;
	s9 =	sld [smem:$0x3FA9]  }
0x2f: {  	lr =	sadd.s32 s0, s3;
	s0 =	sld [smem:$0x3FA0]  }
0x30: {  	s3 =	sld [smem:$0x3FA3]  }
0x31: {  	[smem:$0x3FAC] =	sst s10  }
0x32: {  	s10 =	sld [smem:$0x3FAA];
	_ =	sdelay $0x3  }
0x33: {  	p0 =	seq.s32 s10, $0x1;
	s10 =	sld [smem:$0x3FAC];
	_ =	sdelay $0x3  }
0x34: {  	[smem:$0x3FAC] =	sst s10  }
0x35: {  	s10 =	sld [smem:$0x3FAB];
	_ =	sdelay $0x3  }
0x36: {  	p1 =	seq.s32 s10, $0x1;
	s10 =	sld [smem:$0x3FAC];
	_ =	sdelay $0x3  }
0x37: {  	[smem:$0x3FAC] =	sst s10  }
0x38: {  	s10 =	sld [smem:$0x3FAD]  }
0x39: {  	_ = 	snop;
	(pc) =	sbr.ind lr, $3  }
0x3a: {  	_ = 	snop  }
0x3b: {  	_ = 	snop  }
0x3c: {  	p2 =	seq.s32 s10, $0x1;
	s10 =	sld [smem:$0x3FAC]  }
0x3d: {  	_ =	shalt  }
0x3e: {  	_ =	shalt  }
0x3f: {  	_ =	shalt  }
0x40: {  	_ =	shalt  }
0x41: {  	_ =	shalt  }
0x42: {  	_ =	shalt  }
0x43: {  	_ =	shalt  }
0x44: {  	_ =	shalt  }
0x45: {  	_ =	shalt  }
0x46: {  	_ =	shalt  }
0x47: {  	_ =	shalt  }
0x48: {  	_ =	shalt  }
0x49: {  	_ =	shalt  }
0x4a: {  	_ =	shalt  }
0x4b: {  	_ =	shalt  }
0x4c: {  	_ =	shalt  }
0x4d: {  	_ =	shalt  }
0x4e: {  	_ =	shalt  }
0x4f: {  	_ =	shalt  }
0x50: {  	_ =	shalt  }
0x51: {  	_ =	shalt  }
0x52: {  	_ =	shalt  }
0x53: {  	_ =	shalt  }
0x54: {  	_ =	shalt  }
0x55: {  	_ =	shalt  }
0x56: {  	_ =	shalt  }
0x57: {  	_ =	shalt  }
0x58: {  	_ =	shalt  }
0x59: {  	_ =	shalt  }
0x5a: {  	_ =	shalt  }
0x5b: {  	_ =	shalt  }
0x5c: {  	_ =	shalt  }
0x5d: {  	_ =	shalt  }
0x5e: {  	_ =	shalt  }
0x5f: {  	_ =	shalt  }
0x60: {  	_ =	shalt  }
0x61: {  	_ =	shalt  }
0x62: {  	_ =	shalt  }
0x63: {  	_ =	shalt  }
0x64: {  	_ =	shalt  }
0x65: {  	_ =	shalt  }
0x66: {  	_ =	shalt  }
0x67: {  	_ =	shalt  }
0x68: {  	_ =	shalt  }
0x69: {  	_ =	shalt  }
0x6a: {  	_ =	shalt  }
0x6b: {  	_ =	shalt  }
0x6c: {  	_ =	shalt  }
0x6d: {  	_ =	shalt  }
0x6e: {  	_ =	shalt  }
0x6f: {  	_ =	shalt  }
0x70: {  	_ =	shalt  }
0x71: {  	_ =	shalt  }
0x72: {  	_ =	shalt  }
0x73: {  	_ =	shalt  }
0x74: {  	_ =	shalt  }
0x75: {  	_ =	shalt  }
0x76: {  	_ =	shalt  }
0x77: {  	_ =	shalt  }
0x78: {  	_ =	shalt  }
0x79: {  	_ =	shalt  }
0x7a: {  	_ =	shalt  }
0x7b: {  	_ =	shalt  }
0x7c: {  	_ =	shalt  }
0x7d: {  	_ =	shalt  }
0x7e: {  	_ =	shalt  }
0x7f: {  	_ =	shalt  }
0x80: {  	_ =	shalt  }
0x81: {  	_ =	shalt  }
0x82: {  	_ =	shalt  }
0x83: {  	_ =	shalt  }
0x84: {  	_ =	shalt  }
0x85: {  	_ =	shalt  }
0x86: {  	_ =	shalt  }
0x87: {  	_ =	shalt  }
.Lfunc_end0:
.L_simem_size_0:
called_computation.3_lowered:
.L_overlay_start_0:
0x88: {  	s2 =	sld [smem:$0x3FD9]  }
0x89: {  	s3 =	sld [smem:$0x3FFE];
	_ =	sdelay $0x1  }
0x8a: {  	s1 =	srdreg.scid  }
0x8b: {  	s0 =	sand.u32 $0x1, s1  }
0x8c: {  	s16 =	sshll.u32 s0, $0xA;
	s2 =	sadd.s32 s3, s2  }
0x8d: {  	s2 =	sadd.s32 s2, s16  }
0x8e: {  	[smem:$0x3FB8] =	sst s2  }
0x8f: {  	_ = 	snop  }
0x90: {  	(tm) =	ssettm $0x1  }
0x91: {  	s17 =	sld [smem:$0x3FFB];
	_ =	sdelay $0x3  }
0x92: {  	_ =	strace s17  }
0x93: {  	s2 =	sld [smem:$0x3FFC];
	_ =	sdelay $0x3  }
0x94: {  	_ =	strace s2  }
0x95: {  	s2 =	sld [smem:$0x3FFD];
	_ =	sdelay $0x3  }
0x96: {  	_ =	strace s2  }
0x97: {  	_ =	strace $0x8FFFFFFF  }
0x98: {  	s18 =	sld [smem:$0x3FDB];
	_ =	sdelay $0x1  }
0x99: {  	s19 =	simm.s32 $_scs_section_size  }
0x9a: {  	s4 =	simm.s32 $_size__tile_overlayer_lowered;
	s5 =	simm.s32 $_tile_overlayer_lowered  }
0x9b: {  	s22 =	simm.s32 $0x1BFF;
	s21 =	sshll.u32 s5, $0x1;
	s2 =	sadd.s32 s19, s18  }
0x9c: {  	s6 =	simm.s32 $0x0;
	s20 =	sshll.u32 s4, $0x1;
	s4 =	sadd.s32 s21, s2  }
0x9d: {  	[timem:s6], [sflag:s22] =	dma.local [hbm:s4], s20  }
0x9e: {  	_ =	swait.ge [sflag:s22], s20  }
0x9f: {  	s3 =	ssub.s32 $0x0, s20;
	[sflag:s22] =	ssyncset.done $0x0  }
0xa0: {  	[sflag:s22] =	ssyncadd.s32 s3;
	_ =	sdelay $0x1  }
0xa1: {  	s23 =	simm.s32 $0x1B8B  }
0xa2: {  	_ =	swait.ge [sflag:s23], $0x1  }
0xa3: {  	[sflag:s23] =	ssyncset.done $0x0  }
0xa4: {  	s25 =	simm.s32 $0x1B8E;
	s24 =	sld [smem:$0x3FFE];
	[sflag:s23] =	ssyncadd.s32 $0xFFFFFFFF  }
0xa5: {  	s26 =	simm.s32 $execute0_lowered;
	[smem:$0x3FD2] =	sst s25  }
0xa6: {  	s4 =	sshll.u32 s26, $0x1;
	_ =	strace $0x8000004F;
	[dreg:$0x1] =	wrdreg $0xFFFFFFFF  }
0xa7: {  	s28 =	simm.s32 $_size_execute0_lowered;
	s2 =	sadd.s32 s2, s4;
	[dreg:$0x0] =	wrdreg $0x0  }
0xa8: {  	s4 =	sshll.u32 s28, $0x1;
	[dreg:$0x2] =	wrdreg s2  }
0xa9: {  	[dreg:$0x3] =	wrdreg s4  }
0xaa: {  	[dreg:$0x4] =	wrdreg $0xC0  }
0xab: {  	_ =	task [dreg:s6], $0x5FFFF  }
0xac: {  	[dreg:$0x1] =	wrdreg $0xFFFFFFFF  }
0xad: {  	[dreg:$0x0] =	wrdreg $0x60  }
0xae: {  	[dreg:$0x2] =	wrdreg s24  }
0xaf: {  	[dreg:$0x3] =	wrdreg $0x109D00  }
0xb0: {  	[dreg:$0x4] =	wrdreg $0x9  }
0xb1: {  	_ =	task.clear_ibuf [dreg:s6], $0x5FFFF;
	_ =	strace $0x9000004F  }
0xb2: {  	s29 =	simm.s32 $0x9;
	_ =	strace $0x80000051  }
0xb3: {  	_ =	swait.ge [sflag:s29], $0x1  }
0xb4: {  	[sflag:s29] =	ssyncadd.s32 $0xFFFFFFFF  }
0xb5: {  	_ =	strace $0x90000051  }
0xb6: {  	_ =	sfence  }
0xb7: {  	s30 =	sld [smem:$0x0];
	_ =	sdelay $0x2  }
0xb8: {  	s31 =	sshll.u32 s1, $0xD;
	s1 =	sshrl.u32 s1, $0x2  }
0xb9: {  	s3 =	sand.u32 $0x4000, s31;
	s1 =	sadd.s32 s1, s30  }
0xba: {  	s0 =	sor.u32 s3, s0;
	s1 =	sshll.u32 s1, $0x11  }
0xbb: {  	s0 =	sor.u32 s1, s0  }
0xbc: {  	s0 =	sadd.s32 $0x8F2B, s0  }
0xbd: {  	[sflag:s0] =	ssyncadd.remote.s32 $0x1  }
0xbe: {  	_ =	sfence.sel $0xFFFF  }
0xbf: {  	[dreg:$0x0] =	wrdreg $0xFFFFFFFF;
	(pc) =	sbr.abs _section_cstart, $3  }
0xc0: {  	[dreg:$0x1] =	wrdreg $0xFFFFFFFF  }
0xc1: {  	_ =	task.clear_ibuf [dreg:s6], $0x2FFFF;
	_ =	strace $0x9FFFFFFF  }
0xc2: {  	(tm) =	ssettm $0x7FFFFFFF  }
0xc3: {  	_ =	shalt  }
tec
execute0_lowered:
.L_overlay_start_1:
0x0: {  	(tag) =	ssettag $0x1  }
0x1: {  	s1 =	srdreg.scid;
	s6 =	rddreg [dreg:$0x0]  }
0x2: {  	s0 =	stileid.u32;
	s2 =	rddreg [dreg:$0x1]  }
0x3: {  	s3 =	simm.s32 $0x0;
	s13 =	simm.s32 $0x7D0;
	s14 =	simm.s32 $0x0  }
0x4: {  	s4 =	sand.u32 $0x1, s1;
	s5 =	smul.u32 $0x186A0, s0;
	s1 =	rddreg [dreg:$0x2]  }
0x5: {  	[smem:$0x7FF] =	sst s3;
	s8 =	smul.u32 $0xC380, s0;
	s29 =	sadd.s32 $0x7E400, s6  }
0x6: {  	p0 =	seq.s32 s0, $0xF;
	s7 =	smul.u32 $0xC350, s4;
	_ =	strace $0x80000050  }
0x7: {  	s10 =	ssub.s32 $0x2, s4;
	s11 =	smul.u32 $0xC3500, s4;
	s25 =	sshrl.u32 s8, $0x3  }
0x8: {  	s28 =	sshrl.u32 s10, $0x1;
	s5 =	sadd.s32 s7, s5;
	s26 =	sadd.s32 s25, s6  }
0x9: {  	s10 =	ssub.s32 s10, s28;
	s30 =	sadd.s32 s8, s11;
	s11 =	sshrl.u32 s11, $0x3  }
0xa: {  	s7 =	sadd.s32 $0x186A00, s5;
	s9 =	sadd.s32 s5, s6;
	s4 =	sadd.s32 $0x65C00, s26  }
0xb: {  	s31 =	sshrl.u32 s30, $0x3;
	s5 =	sadd.s32 s8, s2;
	s8 =	smax.u32 s10, $0x1  }
0xc: {  	s24 =	sshrl.u32 s7, $0x3;
	s7 =	sadd.s32 s29, s11;
	s9 =	sadd.s32 $0x3A4000, s9  }
0xd: {  	s11 =	simm.s32 $0x4650;
	s12 =	sadd.s32 s24, s6;
	s6 =	sadd.s32 s29, s31  }
0xe: {  	s7 =	sadd.s32 $0x16E90, s7;
	s10 =	sadd.s32 $0x4000, s12;
	s12 =	simm.s32 $0x1  }
.LBB2_1:
0xf: {  	[tilespmem:s11], [sflag:$0x1] =	stream.linear.gather [hbm4b:s4+s3], $0xC380, $0x38;
	[tilespmem:$0x1CD50] =	vst v63  }
0x10: {  	_ =	swait.ge [sflag:s12], $0xC380  }
0x11: {  	[sflag:s12] =	ssyncset.done $0x0  }
0x12: {  	[sflag:s12] =	ssyncadd.s32 $0xFFFF3C80  }
0x13: {  	[spmem:s5] =	stream.linear.scatter [tilespmem:s11], [sflag:$0x1], $0xC380, $0x38;
	[tilespmem:$0x1CD50] =	vst v63  }
0x14: {  	_ =	swait.ge [sflag:s12], $0xC380  }
0x15: {  	[sflag:s12] =	ssyncset.done $0x0  }
0x16: {  	[sflag:s12] =	ssyncadd.s32 $0xFFFF3C80  }
0x17: {  	s15 =	sadd.s32 $0x0, s10;
	[bflag:$0x0] =	sbarrier.arrive $0xFFFF  }
0x18: {  	[tilespmem:s3], [sflag:$0x1] =	stream.linear.gather [hbm4b:s15+s3], $0x7D0, $0x38;
	[tilespmem:$0x1CD50] =	vst v63  }
0x19: {  	_ =	swait.ge [sflag:s12], $0x7D0  }
0x1a: {  	[sflag:s12] =	ssyncset.done $0x0  }
0x1b: {  	[sflag:s12] =	ssyncadd.s32 $0xFFFFF830  }
0x1c: {  	[tilespmem:s13], [sflag:$0x1] =	stream.linear.gather [hbm4b:s9+s3], $0x3E80, $0x38;
	[tilespmem:$0x1CD50] =	vst v63  }
0x1d: {  	_ =	swait.ge [sflag:s12], $0x3E80  }
0x1e: {  	[sflag:s12] =	ssyncset.done $0x0  }
0x1f: {  	[sflag:s12] =	ssyncadd.s32 $0xFFFFC180  }
0x20: {  	[spmem:s2] =	stream.indirect.scatter.add.f32 [tilespmem:s13], [sflag:$0x1], $0x8, s3, s13, $0xb8;
	[tilespmem:$0x1CD50] =	vst v63  }
0x21: {  	s16 =	simm.s32 $0xFA;
	_ =	swait.ge [sflag:s12], $0x3E80  }
0x22: {  	s17 =	simm.s32 $0x1F4;
	s15 =	sadd.s32 $0x7D0, s9;
	[sflag:s12] =	ssyncset.done $0x0  }
.LBB2_2:
0x23: {  	s18 =	sadd.s32 s16, s10  }
0x24: {  	[sflag:s12] =	ssyncadd.s32 $0xFFFFC180;
	s16 =	smov.u32 s17;
	s19 =	sadd.s32 $0xFA, s17  }
0x25: {  	[tilespmem:s3], [sflag:$0x1] =	stream.linear.gather [hbm4b:s18+s3], $0x7D0, $0x38;
	[tilespmem:$0x1CD50] =	vst v63  }
0x26: {  	p1 =	sne.s32 s17, $0x1770;
	_ =	swait.ge [sflag:s12], $0x7D0  }
0x27: {  	[sflag:s12] =	ssyncset.done $0x0  }
0x28: {  	[sflag:s12] =	ssyncadd.s32 $0xFFFFF830  }
0x29: {  	[tilespmem:s13], [sflag:$0x1] =	stream.linear.gather [hbm4b:s15+s3], $0x3E80, $0x38;
	[tilespmem:$0x1CD50] =	vst v63  }
0x2a: {  	_ =	swait.ge [sflag:s12], $0x3E80  }
.Ltmp0:
0x2b: {  	[sflag:s12] =	ssyncset.done $0x0;
	(pc) =	sbr.rel @p1 .LBB2_2-.Ltmp0, $4  }
0x2c: {  	[sflag:s12] =	ssyncadd.s32 $0xFFFFC180  }
0x2d: {  	[spmem:s2] =	stream.indirect.scatter.add.f32 [tilespmem:s13], [sflag:$0x1], $0x8, s3, s13, $0xb8;
	[tilespmem:$0x1CD50] =	vst v63  }
0x2e: {  	_ =	swait.ge [sflag:s12], $0x3E80  }
0x2f: {  	s17 =	smov.u32 s19;
	s15 =	sadd.s32 $0x7D0, s15;
	[sflag:s12] =	ssyncset.done $0x0  }
0x30: {  	s16 =	sadd.s32 s16, s10;
	[sflag:s12] =	ssyncadd.s32 $0xFFFFC180  }
0x31: {  	[tilespmem:s3], [sflag:$0x1] =	stream.linear.gather [hbm4b:s16+s3], $0x7D0, $0x38;
	[tilespmem:$0x1CD50] =	vst v63  }
0x32: {  	_ =	swait.ge [sflag:s12], $0x7D0  }
0x33: {  	[sflag:s12] =	ssyncset.done $0x0  }
0x34: {  	[sflag:s12] =	ssyncadd.s32 $0xFFFFF830  }
0x35: {  	[tilespmem:s13], [sflag:$0x1] =	stream.linear.gather [hbm4b:s15+s3], $0x3E80, $0x38;
	[tilespmem:$0x1CD50] =	vst v63  }
0x36: {  	_ =	swait.ge [sflag:s12], $0x3E80  }
0x37: {  	[sflag:s12] =	ssyncset.done $0x0  }
0x38: {  	[sflag:s12] =	ssyncadd.s32 $0xFFFFC180  }
0x39: {  	[spmem:s2] =	stream.indirect.scatter.add.f32 [tilespmem:s13], [sflag:$0x1], $0x8, s3, s13, $0xb8;
	[tilespmem:$0x1CD50] =	vst v63  }
0x3a: {  	_ =	swait.ge [sflag:s12], $0x3E80  }
0x3b: {  	[sflag:s12] =	ssyncset.done $0x0  }
0x3c: {  	[sflag:s12] =	ssyncadd.s32 $0xFFFFC180  }
0x3d: {  	s16 =	simm.s32 @p0 $0x1;
	s15 =	simm.s32 @p0 $0x4650;
	[bflag:$0x0] =	sbarrier.arrive $0xFFFF  }
0x3e: {  	[tilespmem:s15], [sflag:$0x1] =	stream.linear.gather @p0 [spmem:s5], $0xC080, $0x38;
	[tilespmem:$0x1CD50] =	vst v63  }
0x3f: {  	_ =	swait.ge @p0 [sflag:s16], $0xC080  }
0x40: {  	[sflag:s16] =	ssyncset.done @p0 $0x0  }
0x41: {  	s17 =	simm.s32 @p0 $0x0;
	[sflag:s16] =	ssyncadd.s32 @p0 $0xFFFF3F80  }
0x42: {  	[hbm4b:s7+s17] =	stream.linear.scatter @p0 [tilespmem:s15], [sflag:$0x1], $0xC080, $0x38;
	[tilespmem:$0x1CD50] =	vst v63  }
0x43: {  	_ =	swait.ge @p0 [sflag:s16], $0xC080  }
0x44: {  	[sflag:s16] =	ssyncset.done @p0 $0x0  }
0x45: {  	s15 =	simm.s32 @!p0 $0x4650;
	[sflag:s16] =	ssyncadd.s32 @p0 $0xFFFF3F80;
	s16 =	simm.s32 @!p0 $0x1  }
0x46: {  	[tilespmem:s15], [sflag:$0x1] =	stream.linear.gather @!p0 [spmem:s5], $0xC380, $0x38;
	[tilespmem:$0x1CD50] =	vst v63  }
0x47: {  	s14 =	sadd.s32 $0x1, s14;
	_ =	swait.ge @!p0 [sflag:s16], $0xC380  }
0x48: {  	p1 =	sne.s32 s14, s8;
	[sflag:s16] =	ssyncset.done @!p0 $0x0  }
.Ltmp1:
0x49: {  	s17 =	simm.s32 @!p0 $0x0;
	[sflag:s16] =	ssyncadd.s32 @!p0 $0xFFFF3C80;
	(pc) =	sbr.rel @p1 .LBB2_1-.Ltmp1, $4  }
0x4a: {  	[hbm4b:s6+s17] =	stream.linear.scatter @!p0 [tilespmem:s15], [sflag:$0x1], $0xC380, $0x38;
	[tilespmem:$0x1CD50] =	vst v63  }
0x4b: {  	_ =	swait.ge @!p0 [sflag:s16], $0xC380  }
0x4c: {  	[sflag:s16] =	ssyncset.done @!p0 $0x0  }
0x4d: {  	[sflag:s16] =	ssyncadd.s32 @!p0 $0xFFFF3C80  }
0x4e: {  	_ =	sfence.sel $0x180000  }
0x4f: {  	[bflag:$0x0] =	sbarrier.arrive $0xFFFF  }
0x50: {  	p0 =	sne.s32 s0, $0x0;
	_ =	strace $0x90000050  }
0x51: {  	s0 =	sadd.s32 @!p0 $0x100000, s1;
	[bflag:$0x2] =	sbarrier.arrive $0xFFFF  }
0x52: {  	[sflag:s0] =	ssyncadd.tile.s32 @!p0 $0x1;
	_ =	shalt  }
.Lfunc_end2:
_tile_overlayer_lowered:
.L_overlay_start_2:
0x53: {  	(tag) =	ssettag $0x2  }
0x54: {  	s0 =	rddreg [dreg:$0x0];
	s2 =	stileid.u32  }
0x55: {  	s1 =	rddreg [dreg:$0x1];
	p0 =	sne.s32 s2, $0x0  }
0x56: {  	s3 =	rddreg [dreg:$0x2];
	[bflag:$0x3] =	sbarrier.arrive $0xFFFF;
	s2 =	simm.s32 @!p0 $0x1C01  }
0x57: {  	[timem:s3], [sflag:s2] =	dma.local @!p0 [hbm:s0], s1  }
0x58: {  	s0 =	simm.s32 @!p0 $0x1  }
0x59: {  	_ =	swait.ge @!p0 [sflag:s0], s1  }
0x5a: {  	s1 =	ssub.s32 @!p0 $0x0, s1;
	[sflag:s0] =	ssyncset.done @!p0 $0x0  }
0x5b: {  	[sflag:s0] =	ssyncadd.s32 @!p0 s1  }
0x5c: {  	[bflag:$0x3] =	sbarrier.arrive $0xFFFF  }
0x5d: {  	_ =	shalt  }

</sc_bundles>
